<compile_context>
chip_gen: v7x
topology: tpu7x:2x2x1
jax: 0.10.2.dev20260603
libtpu: 0.0.44.dev20260713+nightly
codegen_flags: <defaults>
</compile_context>

<pallas_src>
import jax
import jax.numpy as jnp
from jax import lax
from jax.experimental import pallas as pl
from jax.experimental.pallas import tpu as pltpu
from jax.experimental.pallas import tpu_sc as plsc

NC = 2
NS = 16
NW = NC * NS

B = 16384
DA = 128
DB = 64
N_ROWS = 100000

BPW = B // NW
CH = 128
NCH = BPW // CH


def _make_body(width):
    def _gather_body(idx_hbm, tab_hbm, out_hbm, idx_v, rb0, rb1,
                     sg0, sg1, sw0, sw1):
        c = lax.axis_index("c")
        s = lax.axis_index("s")
        wid = s * NC + c
        base = wid * BPW

        pltpu.sync_copy(idx_hbm.at[pl.ds(wid * NCH, NCH)], idx_v)

        bufs = [rb0, rb1]
        sg = [sg0, sg1]
        sw = [sw0, sw1]
        wd = [None, None]
        for j in range(NCH):
            k = j % 2
            if wd[k] is not None:
                wd[k].wait()
            pltpu.async_copy(tab_hbm.at[idx_v.at[j]], bufs[k], sg[k]).wait()
            wd[k] = pltpu.async_copy(
                bufs[k], out_hbm.at[pl.ds(base + j * CH, CH)], sw[k])
        for d in wd:
            if d is not None:
                d.wait()
    return _gather_body


def _gather_call(idx2d, table, width, untiled):
    mesh = plsc.VectorSubcoreMesh(core_axis_name="c", subcore_axis_name="s")
    params = {"compiler_params": pltpu.CompilerParams(
        use_tc_tiling_on_sc=False if untiled else None,
        skip_device_barrier=True)}
    return pl.kernel(
        _make_body(width),
        out_type=jax.ShapeDtypeStruct((B, width), jnp.float32),
        mesh=mesh,
        scratch_types=[
            pltpu.VMEM((NCH, CH), jnp.int32),
            pltpu.VMEM((CH, width), jnp.float32),
            pltpu.VMEM((CH, width), jnp.float32),
        ] + [pltpu.SemaphoreType.DMA] * 4,
        **params,
    )(idx2d, table)


@jax.jit
def kernel(indices, feats_a, feats_b):
    idx = indices[:, 0].astype(jnp.int32)
    idx2d = idx.reshape(NW * NCH, CH)
    out_a = _gather_call(idx2d, feats_a, DA, untiled=False)
    out_b = _gather_call(idx2d, feats_b, DB, untiled=True)
    return out_a, out_b

# --- scband reference (transcript-rebuilt; emitter-appended) ---
"""Pipeline reference for scband-select-from-indices-66460323938755 (READ-ONLY COPY).

The authoritative reference and input builder live on the scoring server;
editing this copy changes nothing except your own understanding.
"""

import jax, jax.numpy as jnp
import numpy as np


def setup_inputs(seed: int = 0) -> dict:
    key = jax.random.key(seed)
    k1, k2, k3 = jax.random.split(key, 3)
    # indices for tf.gather_nd with index depth 1: shape [K, 1], values index rows of the source tensors
    indices = jax.random.randint(k1, (16384, 1), 0, 100000)
    feats_a = jax.random.normal(k2, (100000, 128), dtype=jnp.float32)
    feats_b = jax.random.normal(k3, (100000, 64), dtype=jnp.float32)
    return {"indices": indices, "feats_a": feats_a, "feats_b": feats_b}


def reference(indices, feats_a, feats_b):
    # Faithful port of SelectFromIndices.call:
    #   inputs[0] = indices; inputs[1:] = tensors to gather from.
    #   tf.gather_nd(t, indices) with indices shape [K, 1] == row gather t[indices[:, 0]]
    row_idx = indices[:, 0]
    outs = []
    for t in (feats_a, feats_b):
        outs.append(jnp.take(t, row_idx, axis=0))
    return tuple(outs)

if __name__ == "__main__":
    import jax
    _d = setup_inputs()
    print(jax.jit(kernel)(*tuple(_d.values())))

</pallas_src>

<mosaic_0001>
#map = affine_map<(d0, d1) -> (0, 0)>
module attributes {stable_mosaic.version = 14 : i64} {
  func.func @_gather_body(%arg0: i32, %arg1: i32, %arg2: memref<128x128xi32, #tpu.memory_space<hbm>>, %arg3: memref<100000x128xf32, #tpu.memory_space<hbm>>, %arg4: memref<16384x128xf32, #tpu.memory_space<hbm>>, %arg5: memref<4x128xi32, #tpu.memory_space<vmem>>, %arg6: memref<128x128xf32, #tpu.memory_space<vmem>>, %arg7: memref<128x128xf32, #tpu.memory_space<vmem>>, %arg8: memref<!tpu.dma_semaphore, #tpu.memory_space<semaphore_mem>>, %arg9: memref<!tpu.dma_semaphore, #tpu.memory_space<semaphore_mem>>, %arg10: memref<!tpu.dma_semaphore, #tpu.memory_space<semaphore_mem>>, %arg11: memref<!tpu.dma_semaphore, #tpu.memory_space<semaphore_mem>>) attributes {dimension_semantics = [#tpu.dimension_semantics<core_parallel>, #tpu.dimension_semantics<subcore_parallel>], iteration_bounds = array<i64: 2, 16>, scalar_prefetch = 0 : i64, scratch_operands = 7 : i64, tpu.core_type = #tpu.core_type<sc_vector_subcore>, window_params = [{transform_indices = #map}, {transform_indices = #map}, {transform_indices = #map}]} {
    %mul3A = arith.constant 2 : i32
    %mul3A_0 = arith.muli %arg1, %mul3A : i32
    %add3A = arith.addi %mul3A_0, %arg0 : i32
    %mul3A_1 = arith.constant 512 : i32
    %mul3A_2 = arith.muli %add3A, %mul3A_1 : i32
    %mul3A_3 = arith.constant 4 : i32
    %mul3A_4 = arith.muli %add3A, %mul3A_3 : i32
    "tpu.region"() ({
      %run_scoped3A = tpu.sem_alloc : memref<!tpu.dma_semaphore, #tpu.memory_space<semaphore_mem>>
      %dma_start3A_99 = arith.constant 0 : i32
      %dma_start3A_100 = tpu.memref_slice %arg2[%mul3A_4, %dma_start3A_99] : memref<128x128xi32, #tpu.memory_space<hbm>> -> memref<4x128xi32, #tpu.memory_space<hbm>>
      %dma_start3A_101 = arith.constant 0 : i32
      %dma_start3A_102 = tpu.memref_slice %arg2[%mul3A_4, %dma_start3A_101] : memref<128x128xi32, #tpu.memory_space<hbm>> -> memref<4x128xi32, #tpu.memory_space<hbm>>
      tpu.enqueue_dma source(%dma_start3A_102 : memref<4x128xi32, #tpu.memory_space<hbm>>) target(%arg5 : memref<4x128xi32, #tpu.memory_space<vmem>>) target_semaphore(%run_scoped3A : memref<!tpu.dma_semaphore, #tpu.memory_space<semaphore_mem>>)
      %dma_wait3A_103 = arith.constant 0 : i32
      %dma_wait3A_104 = tpu.memref_slice %arg2[%mul3A_4, %dma_wait3A_103] : memref<128x128xi32, #tpu.memory_space<hbm>> -> memref<4x128xi32, #tpu.memory_space<hbm>>
      %dma_wait3A_105 = arith.constant 0 : i32
      %dma_wait3A_106 = tpu.memref_slice %arg2[%mul3A_4, %dma_wait3A_105] : memref<128x128xi32, #tpu.memory_space<hbm>> -> memref<4x128xi32, #tpu.memory_space<hbm>>
      tpu.wait_dma2 semaphore(%run_scoped3A : memref<!tpu.dma_semaphore, #tpu.memory_space<semaphore_mem>>) src(%dma_wait3A_106 : memref<4x128xi32, #tpu.memory_space<hbm>>) dst(%arg5 : memref<4x128xi32, #tpu.memory_space<vmem>>)
      tpu.yield
    }) : () -> ()
    %dma_start3A = arith.constant 0 : i32
    %dma_start3A_5 = arith.constant 0 : i32
    %dma_start3A_6 = tpu.memref_slice %arg5[%dma_start3A, %dma_start3A_5] : memref<4x128xi32, #tpu.memory_space<vmem>> -> memref<1x128xi32, #tpu.memory_space<vmem>>
    %dma_start3A_7 = tpu.memref_squeeze %dma_start3A_6 : memref<1x128xi32, #tpu.memory_space<vmem>> -> memref<128xi32, #tpu.memory_space<vmem>>
    %dma_start3A_8 = arith.constant 0 : i32
    %dma_start3A_9 = arith.constant 0 : i32
    %dma_start3A_10 = tpu.memref_slice %arg3[%dma_start3A_8, %dma_start3A_9] : memref<100000x128xf32, #tpu.memory_space<hbm>> -> memref<100000x128xf32, #tpu.memory_space<hbm>>
    tpu.enqueue_indirect_dma source(%dma_start3A_10 : memref<100000x128xf32, #tpu.memory_space<hbm>>) target(%arg6 : memref<128x128xf32, #tpu.memory_space<vmem>>) offsets(%dma_start3A_7 : memref<128xi32, #tpu.memory_space<vmem>>) semaphore(%arg8 : memref<!tpu.dma_semaphore, #tpu.memory_space<semaphore_mem>>)
    %dma_wait3A = arith.constant 0 : i32
    %dma_wait3A_11 = arith.constant 0 : i32
    %dma_wait3A_12 = tpu.memref_slice %arg5[%dma_wait3A, %dma_wait3A_11] : memref<4x128xi32, #tpu.memory_space<vmem>> -> memref<1x128xi32, #tpu.memory_space<vmem>>
    %dma_wait3A_13 = tpu.memref_squeeze %dma_wait3A_12 : memref<1x128xi32, #tpu.memory_space<vmem>> -> memref<128xi32, #tpu.memory_space<vmem>>
    %dma_wait3A_14 = arith.constant 0 : i32
    %dma_wait3A_15 = arith.constant 0 : i32
    %dma_wait3A_16 = tpu.memref_slice %arg3[%dma_wait3A_14, %dma_wait3A_15] : memref<100000x128xf32, #tpu.memory_space<hbm>> -> memref<100000x128xf32, #tpu.memory_space<hbm>>
    tpu.wait_indirect_dma semaphore(%arg8 : memref<!tpu.dma_semaphore, #tpu.memory_space<semaphore_mem>>) src(%dma_wait3A_16 : memref<100000x128xf32, #tpu.memory_space<hbm>>) dst(%arg6 : memref<128x128xf32, #tpu.memory_space<vmem>>)
    %add3A_17 = arith.constant 0 : i32
    %add3A_18 = arith.addi %mul3A_2, %add3A_17 : i32
    %dma_start3A_19 = arith.constant 0 : i32
    %dma_start3A_20 = tpu.memref_slice %arg4[%add3A_18, %dma_start3A_19] : memref<16384x128xf32, #tpu.memory_space<hbm>> -> memref<128x128xf32, #tpu.memory_space<hbm>>
    %dma_start3A_21 = arith.constant 0 : i32
    %dma_start3A_22 = tpu.memref_slice %arg4[%add3A_18, %dma_start3A_21] : memref<16384x128xf32, #tpu.memory_space<hbm>> -> memref<128x128xf32, #tpu.memory_space<hbm>>
    tpu.enqueue_dma source(%arg6 : memref<128x128xf32, #tpu.memory_space<vmem>>) target(%dma_start3A_22 : memref<128x128xf32, #tpu.memory_space<hbm>>) target_semaphore(%arg10 : memref<!tpu.dma_semaphore, #tpu.memory_space<semaphore_mem>>)
    %dma_start3A_23 = arith.constant 1 : i32
    %dma_start3A_24 = arith.constant 0 : i32
    %dma_start3A_25 = tpu.memref_slice %arg5[%dma_start3A_23, %dma_start3A_24] : memref<4x128xi32, #tpu.memory_space<vmem>> -> memref<1x128xi32, #tpu.memory_space<vmem>>
    %dma_start3A_26 = tpu.memref_squeeze %dma_start3A_25 : memref<1x128xi32, #tpu.memory_space<vmem>> -> memref<128xi32, #tpu.memory_space<vmem>>
    %dma_start3A_27 = arith.constant 0 : i32
    %dma_start3A_28 = arith.constant 0 : i32
    %dma_start3A_29 = tpu.memref_slice %arg3[%dma_start3A_27, %dma_start3A_28] : memref<100000x128xf32, #tpu.memory_space<hbm>> -> memref<100000x128xf32, #tpu.memory_space<hbm>>
    tpu.enqueue_indirect_dma source(%dma_start3A_29 : memref<100000x128xf32, #tpu.memory_space<hbm>>) target(%arg7 : memref<128x128xf32, #tpu.memory_space<vmem>>) offsets(%dma_start3A_26 : memref<128xi32, #tpu.memory_space<vmem>>) semaphore(%arg9 : memref<!tpu.dma_semaphore, #tpu.memory_space<semaphore_mem>>)
    %dma_wait3A_30 = arith.constant 1 : i32
    %dma_wait3A_31 = arith.constant 0 : i32
    %dma_wait3A_32 = tpu.memref_slice %arg5[%dma_wait3A_30, %dma_wait3A_31] : memref<4x128xi32, #tpu.memory_space<vmem>> -> memref<1x128xi32, #tpu.memory_space<vmem>>
    %dma_wait3A_33 = tpu.memref_squeeze %dma_wait3A_32 : memref<1x128xi32, #tpu.memory_space<vmem>> -> memref<128xi32, #tpu.memory_space<vmem>>
    %dma_wait3A_34 = arith.constant 0 : i32
    %dma_wait3A_35 = arith.constant 0 : i32
    %dma_wait3A_36 = tpu.memref_slice %arg3[%dma_wait3A_34, %dma_wait3A_35] : memref<100000x128xf32, #tpu.memory_space<hbm>> -> memref<100000x128xf32, #tpu.memory_space<hbm>>
    tpu.wait_indirect_dma semaphore(%arg9 : memref<!tpu.dma_semaphore, #tpu.memory_space<semaphore_mem>>) src(%dma_wait3A_36 : memref<100000x128xf32, #tpu.memory_space<hbm>>) dst(%arg7 : memref<128x128xf32, #tpu.memory_space<vmem>>)
    %add3A_37 = arith.constant 128 : i32
    %add3A_38 = arith.addi %mul3A_2, %add3A_37 : i32
    %dma_start3A_39 = arith.constant 0 : i32
    %dma_start3A_40 = tpu.memref_slice %arg4[%add3A_38, %dma_start3A_39] : memref<16384x128xf32, #tpu.memory_space<hbm>> -> memref<128x128xf32, #tpu.memory_space<hbm>>
    %dma_start3A_41 = arith.constant 0 : i32
    %dma_start3A_42 = tpu.memref_slice %arg4[%add3A_38, %dma_start3A_41] : memref<16384x128xf32, #tpu.memory_space<hbm>> -> memref<128x128xf32, #tpu.memory_space<hbm>>
    tpu.enqueue_dma source(%arg7 : memref<128x128xf32, #tpu.memory_space<vmem>>) target(%dma_start3A_42 : memref<128x128xf32, #tpu.memory_space<hbm>>) target_semaphore(%arg11 : memref<!tpu.dma_semaphore, #tpu.memory_space<semaphore_mem>>)
    %dma_wait3A_43 = arith.constant 0 : i32
    %dma_wait3A_44 = tpu.memref_slice %arg4[%add3A_18, %dma_wait3A_43] : memref<16384x128xf32, #tpu.memory_space<hbm>> -> memref<128x128xf32, #tpu.memory_space<hbm>>
    %dma_wait3A_45 = arith.constant 0 : i32
    %dma_wait3A_46 = tpu.memref_slice %arg4[%add3A_18, %dma_wait3A_45] : memref<16384x128xf32, #tpu.memory_space<hbm>> -> memref<128x128xf32, #tpu.memory_space<hbm>>
    tpu.wait_dma2 semaphore(%arg10 : memref<!tpu.dma_semaphore, #tpu.memory_space<semaphore_mem>>) src(%arg6 : memref<128x128xf32, #tpu.memory_space<vmem>>) dst(%dma_wait3A_46 : memref<128x128xf32, #tpu.memory_space<hbm>>)
    %dma_start3A_47 = arith.constant 2 : i32
    %dma_start3A_48 = arith.constant 0 : i32
    %dma_start3A_49 = tpu.memref_slice %arg5[%dma_start3A_47, %dma_start3A_48] : memref<4x128xi32, #tpu.memory_space<vmem>> -> memref<1x128xi32, #tpu.memory_space<vmem>>
    %dma_start3A_50 = tpu.memref_squeeze %dma_start3A_49 : memref<1x128xi32, #tpu.memory_space<vmem>> -> memref<128xi32, #tpu.memory_space<vmem>>
    %dma_start3A_51 = arith.constant 0 : i32
    %dma_start3A_52 = arith.constant 0 : i32
    %dma_start3A_53 = tpu.memref_slice %arg3[%dma_start3A_51, %dma_start3A_52] : memref<100000x128xf32, #tpu.memory_space<hbm>> -> memref<100000x128xf32, #tpu.memory_space<hbm>>
    tpu.enqueue_indirect_dma source(%dma_start3A_53 : memref<100000x128xf32, #tpu.memory_space<hbm>>) target(%arg6 : memref<128x128xf32, #tpu.memory_space<vmem>>) offsets(%dma_start3A_50 : memref<128xi32, #tpu.memory_space<vmem>>) semaphore(%arg8 : memref<!tpu.dma_semaphore, #tpu.memory_space<semaphore_mem>>)
    %dma_wait3A_54 = arith.constant 2 : i32
    %dma_wait3A_55 = arith.constant 0 : i32
    %dma_wait3A_56 = tpu.memref_slice %arg5[%dma_wait3A_54, %dma_wait3A_55] : memref<4x128xi32, #tpu.memory_space<vmem>> -> memref<1x128xi32, #tpu.memory_space<vmem>>
    %dma_wait3A_57 = tpu.memref_squeeze %dma_wait3A_56 : memref<1x128xi32, #tpu.memory_space<vmem>> -> memref<128xi32, #tpu.memory_space<vmem>>
    %dma_wait3A_58 = arith.constant 0 : i32
    %dma_wait3A_59 = arith.constant 0 : i32
    %dma_wait3A_60 = tpu.memref_slice %arg3[%dma_wait3A_58, %dma_wait3A_59] : memref<100000x128xf32, #tpu.memory_space<hbm>> -> memref<100000x128xf32, #tpu.memory_space<hbm>>
    tpu.wait_indirect_dma semaphore(%arg8 : memref<!tpu.dma_semaphore, #tpu.memory_space<semaphore_mem>>) src(%dma_wait3A_60 : memref<100000x128xf32, #tpu.memory_space<hbm>>) dst(%arg6 : memref<128x128xf32, #tpu.memory_space<vmem>>)
    %add3A_61 = arith.constant 256 : i32
    %add3A_62 = arith.addi %mul3A_2, %add3A_61 : i32
    %dma_start3A_63 = arith.constant 0 : i32
    %dma_start3A_64 = tpu.memref_slice %arg4[%add3A_62, %dma_start3A_63] : memref<16384x128xf32, #tpu.memory_space<hbm>> -> memref<128x128xf32, #tpu.memory_space<hbm>>
    %dma_start3A_65 = arith.constant 0 : i32
    %dma_start3A_66 = tpu.memref_slice %arg4[%add3A_62, %dma_start3A_65] : memref<16384x128xf32, #tpu.memory_space<hbm>> -> memref<128x128xf32, #tpu.memory_space<hbm>>
    tpu.enqueue_dma source(%arg6 : memref<128x128xf32, #tpu.memory_space<vmem>>) target(%dma_start3A_66 : memref<128x128xf32, #tpu.memory_space<hbm>>) target_semaphore(%arg10 : memref<!tpu.dma_semaphore, #tpu.memory_space<semaphore_mem>>)
    %dma_wait3A_67 = arith.constant 0 : i32
    %dma_wait3A_68 = tpu.memref_slice %arg4[%add3A_38, %dma_wait3A_67] : memref<16384x128xf32, #tpu.memory_space<hbm>> -> memref<128x128xf32, #tpu.memory_space<hbm>>
    %dma_wait3A_69 = arith.constant 0 : i32
    %dma_wait3A_70 = tpu.memref_slice %arg4[%add3A_38, %dma_wait3A_69] : memref<16384x128xf32, #tpu.memory_space<hbm>> -> memref<128x128xf32, #tpu.memory_space<hbm>>
    tpu.wait_dma2 semaphore(%arg11 : memref<!tpu.dma_semaphore, #tpu.memory_space<semaphore_mem>>) src(%arg7 : memref<128x128xf32, #tpu.memory_space<vmem>>) dst(%dma_wait3A_70 : memref<128x128xf32, #tpu.memory_space<hbm>>)
    %dma_start3A_71 = arith.constant 3 : i32
    %dma_start3A_72 = arith.constant 0 : i32
    %dma_start3A_73 = tpu.memref_slice %arg5[%dma_start3A_71, %dma_start3A_72] : memref<4x128xi32, #tpu.memory_space<vmem>> -> memref<1x128xi32, #tpu.memory_space<vmem>>
    %dma_start3A_74 = tpu.memref_squeeze %dma_start3A_73 : memref<1x128xi32, #tpu.memory_space<vmem>> -> memref<128xi32, #tpu.memory_space<vmem>>
    %dma_start3A_75 = arith.constant 0 : i32
    %dma_start3A_76 = arith.constant 0 : i32
    %dma_start3A_77 = tpu.memref_slice %arg3[%dma_start3A_75, %dma_start3A_76] : memref<100000x128xf32, #tpu.memory_space<hbm>> -> memref<100000x128xf32, #tpu.memory_space<hbm>>
    tpu.enqueue_indirect_dma source(%dma_start3A_77 : memref<100000x128xf32, #tpu.memory_space<hbm>>) target(%arg7 : memref<128x128xf32, #tpu.memory_space<vmem>>) offsets(%dma_start3A_74 : memref<128xi32, #tpu.memory_space<vmem>>) semaphore(%arg9 : memref<!tpu.dma_semaphore, #tpu.memory_space<semaphore_mem>>)
    %dma_wait3A_78 = arith.constant 3 : i32
    %dma_wait3A_79 = arith.constant 0 : i32
    %dma_wait3A_80 = tpu.memref_slice %arg5[%dma_wait3A_78, %dma_wait3A_79] : memref<4x128xi32, #tpu.memory_space<vmem>> -> memref<1x128xi32, #tpu.memory_space<vmem>>
    %dma_wait3A_81 = tpu.memref_squeeze %dma_wait3A_80 : memref<1x128xi32, #tpu.memory_space<vmem>> -> memref<128xi32, #tpu.memory_space<vmem>>
    %dma_wait3A_82 = arith.constant 0 : i32
    %dma_wait3A_83 = arith.constant 0 : i32
    %dma_wait3A_84 = tpu.memref_slice %arg3[%dma_wait3A_82, %dma_wait3A_83] : memref<100000x128xf32, #tpu.memory_space<hbm>> -> memref<100000x128xf32, #tpu.memory_space<hbm>>
    tpu.wait_indirect_dma semaphore(%arg9 : memref<!tpu.dma_semaphore, #tpu.memory_space<semaphore_mem>>) src(%dma_wait3A_84 : memref<100000x128xf32, #tpu.memory_space<hbm>>) dst(%arg7 : memref<128x128xf32, #tpu.memory_space<vmem>>)
    %add3A_85 = arith.constant 384 : i32
    %add3A_86 = arith.addi %mul3A_2, %add3A_85 : i32
    %dma_start3A_87 = arith.constant 0 : i32
    %dma_start3A_88 = tpu.memref_slice %arg4[%add3A_86, %dma_start3A_87] : memref<16384x128xf32, #tpu.memory_space<hbm>> -> memref<128x128xf32, #tpu.memory_space<hbm>>
    %dma_start3A_89 = arith.constant 0 : i32
    %dma_start3A_90 = tpu.memref_slice %arg4[%add3A_86, %dma_start3A_89] : memref<16384x128xf32, #tpu.memory_space<hbm>> -> memref<128x128xf32, #tpu.memory_space<hbm>>
    tpu.enqueue_dma source(%arg7 : memref<128x128xf32, #tpu.memory_space<vmem>>) target(%dma_start3A_90 : memref<128x128xf32, #tpu.memory_space<hbm>>) target_semaphore(%arg11 : memref<!tpu.dma_semaphore, #tpu.memory_space<semaphore_mem>>)
    %dma_wait3A_91 = arith.constant 0 : i32
    %dma_wait3A_92 = tpu.memref_slice %arg4[%add3A_62, %dma_wait3A_91] : memref<16384x128xf32, #tpu.memory_space<hbm>> -> memref<128x128xf32, #tpu.memory_space<hbm>>
    %dma_wait3A_93 = arith.constant 0 : i32
    %dma_wait3A_94 = tpu.memref_slice %arg4[%add3A_62, %dma_wait3A_93] : memref<16384x128xf32, #tpu.memory_space<hbm>> -> memref<128x128xf32, #tpu.memory_space<hbm>>
    tpu.wait_dma2 semaphore(%arg10 : memref<!tpu.dma_semaphore, #tpu.memory_space<semaphore_mem>>) src(%arg6 : memref<128x128xf32, #tpu.memory_space<vmem>>) dst(%dma_wait3A_94 : memref<128x128xf32, #tpu.memory_space<hbm>>)
    %dma_wait3A_95 = arith.constant 0 : i32
    %dma_wait3A_96 = tpu.memref_slice %arg4[%add3A_86, %dma_wait3A_95] : memref<16384x128xf32, #tpu.memory_space<hbm>> -> memref<128x128xf32, #tpu.memory_space<hbm>>
    %dma_wait3A_97 = arith.constant 0 : i32
    %dma_wait3A_98 = tpu.memref_slice %arg4[%add3A_86, %dma_wait3A_97] : memref<16384x128xf32, #tpu.memory_space<hbm>> -> memref<128x128xf32, #tpu.memory_space<hbm>>
    tpu.wait_dma2 semaphore(%arg11 : memref<!tpu.dma_semaphore, #tpu.memory_space<semaphore_mem>>) src(%arg7 : memref<128x128xf32, #tpu.memory_space<vmem>>) dst(%dma_wait3A_98 : memref<128x128xf32, #tpu.memory_space<hbm>>)
    return
  }
}

#map = affine_map<(d0, d1) -> (0, 0)>
module attributes {stable_mosaic.version = 14 : i64} {
  func.func @_gather_body(%arg0: i32, %arg1: i32, %arg2: memref<128x128xi32, #tpu.memory_space<hbm>>, %arg3: memref<100000x64xf32, #tpu.memory_space<hbm>>, %arg4: memref<16384x64xf32, #tpu.memory_space<hbm>>, %arg5: memref<4x128xi32, #tpu.memory_space<vmem>>, %arg6: memref<128x64xf32, #tpu.memory_space<vmem>>, %arg7: memref<128x64xf32, #tpu.memory_space<vmem>>, %arg8: memref<!tpu.dma_semaphore, #tpu.memory_space<semaphore_mem>>, %arg9: memref<!tpu.dma_semaphore, #tpu.memory_space<semaphore_mem>>, %arg10: memref<!tpu.dma_semaphore, #tpu.memory_space<semaphore_mem>>, %arg11: memref<!tpu.dma_semaphore, #tpu.memory_space<semaphore_mem>>) attributes {dimension_semantics = [#tpu.dimension_semantics<core_parallel>, #tpu.dimension_semantics<subcore_parallel>], iteration_bounds = array<i64: 2, 16>, scalar_prefetch = 0 : i64, scratch_operands = 7 : i64, tpu.core_type = #tpu.core_type<sc_vector_subcore>, window_params = [{transform_indices = #map}, {transform_indices = #map}, {transform_indices = #map}]} {
    %mul3A = arith.constant 2 : i32
    %mul3A_0 = arith.muli %arg1, %mul3A : i32
    %add3A = arith.addi %mul3A_0, %arg0 : i32
    %mul3A_1 = arith.constant 512 : i32
    %mul3A_2 = arith.muli %add3A, %mul3A_1 : i32
    %mul3A_3 = arith.constant 4 : i32
    %mul3A_4 = arith.muli %add3A, %mul3A_3 : i32
    "tpu.region"() ({
      %run_scoped3A = tpu.sem_alloc : memref<!tpu.dma_semaphore, #tpu.memory_space<semaphore_mem>>
      %dma_start3A_99 = arith.constant 0 : i32
      %dma_start3A_100 = tpu.memref_slice %arg2[%mul3A_4, %dma_start3A_99] : memref<128x128xi32, #tpu.memory_space<hbm>> -> memref<4x128xi32, #tpu.memory_space<hbm>>
      %dma_start3A_101 = arith.constant 0 : i32
      %dma_start3A_102 = tpu.memref_slice %arg2[%mul3A_4, %dma_start3A_101] : memref<128x128xi32, #tpu.memory_space<hbm>> -> memref<4x128xi32, #tpu.memory_space<hbm>>
      tpu.enqueue_dma source(%dma_start3A_102 : memref<4x128xi32, #tpu.memory_space<hbm>>) target(%arg5 : memref<4x128xi32, #tpu.memory_space<vmem>>) target_semaphore(%run_scoped3A : memref<!tpu.dma_semaphore, #tpu.memory_space<semaphore_mem>>)
      %dma_wait3A_103 = arith.constant 0 : i32
      %dma_wait3A_104 = tpu.memref_slice %arg2[%mul3A_4, %dma_wait3A_103] : memref<128x128xi32, #tpu.memory_space<hbm>> -> memref<4x128xi32, #tpu.memory_space<hbm>>
      %dma_wait3A_105 = arith.constant 0 : i32
      %dma_wait3A_106 = tpu.memref_slice %arg2[%mul3A_4, %dma_wait3A_105] : memref<128x128xi32, #tpu.memory_space<hbm>> -> memref<4x128xi32, #tpu.memory_space<hbm>>
      tpu.wait_dma2 semaphore(%run_scoped3A : memref<!tpu.dma_semaphore, #tpu.memory_space<semaphore_mem>>) src(%dma_wait3A_106 : memref<4x128xi32, #tpu.memory_space<hbm>>) dst(%arg5 : memref<4x128xi32, #tpu.memory_space<vmem>>)
      tpu.yield
    }) : () -> ()
    %dma_start3A = arith.constant 0 : i32
    %dma_start3A_5 = arith.constant 0 : i32
    %dma_start3A_6 = tpu.memref_slice %arg5[%dma_start3A, %dma_start3A_5] : memref<4x128xi32, #tpu.memory_space<vmem>> -> memref<1x128xi32, #tpu.memory_space<vmem>>
    %dma_start3A_7 = tpu.memref_squeeze %dma_start3A_6 : memref<1x128xi32, #tpu.memory_space<vmem>> -> memref<128xi32, #tpu.memory_space<vmem>>
    %dma_start3A_8 = arith.constant 0 : i32
    %dma_start3A_9 = arith.constant 0 : i32
    %dma_start3A_10 = tpu.memref_slice %arg3[%dma_start3A_8, %dma_start3A_9] : memref<100000x64xf32, #tpu.memory_space<hbm>> -> memref<100000x64xf32, #tpu.memory_space<hbm>>
    tpu.enqueue_indirect_dma source(%dma_start3A_10 : memref<100000x64xf32, #tpu.memory_space<hbm>>) target(%arg6 : memref<128x64xf32, #tpu.memory_space<vmem>>) offsets(%dma_start3A_7 : memref<128xi32, #tpu.memory_space<vmem>>) semaphore(%arg8 : memref<!tpu.dma_semaphore, #tpu.memory_space<semaphore_mem>>)
    %dma_wait3A = arith.constant 0 : i32
    %dma_wait3A_11 = arith.constant 0 : i32
    %dma_wait3A_12 = tpu.memref_slice %arg5[%dma_wait3A, %dma_wait3A_11] : memref<4x128xi32, #tpu.memory_space<vmem>> -> memref<1x128xi32, #tpu.memory_space<vmem>>
    %dma_wait3A_13 = tpu.memref_squeeze %dma_wait3A_12 : memref<1x128xi32, #tpu.memory_space<vmem>> -> memref<128xi32, #tpu.memory_space<vmem>>
    %dma_wait3A_14 = arith.constant 0 : i32
    %dma_wait3A_15 = arith.constant 0 : i32
    %dma_wait3A_16 = tpu.memref_slice %arg3[%dma_wait3A_14, %dma_wait3A_15] : memref<100000x64xf32, #tpu.memory_space<hbm>> -> memref<100000x64xf32, #tpu.memory_space<hbm>>
    tpu.wait_indirect_dma semaphore(%arg8 : memref<!tpu.dma_semaphore, #tpu.memory_space<semaphore_mem>>) src(%dma_wait3A_16 : memref<100000x64xf32, #tpu.memory_space<hbm>>) dst(%arg6 : memref<128x64xf32, #tpu.memory_space<vmem>>)
    %add3A_17 = arith.constant 0 : i32
    %add3A_18 = arith.addi %mul3A_2, %add3A_17 : i32
    %dma_start3A_19 = arith.constant 0 : i32
    %dma_start3A_20 = tpu.memref_slice %arg4[%add3A_18, %dma_start3A_19] : memref<16384x64xf32, #tpu.memory_space<hbm>> -> memref<128x64xf32, #tpu.memory_space<hbm>>
    %dma_start3A_21 = arith.constant 0 : i32
    %dma_start3A_22 = tpu.memref_slice %arg4[%add3A_18, %dma_start3A_21] : memref<16384x64xf32, #tpu.memory_space<hbm>> -> memref<128x64xf32, #tpu.memory_space<hbm>>
    tpu.enqueue_dma source(%arg6 : memref<128x64xf32, #tpu.memory_space<vmem>>) target(%dma_start3A_22 : memref<128x64xf32, #tpu.memory_space<hbm>>) target_semaphore(%arg10 : memref<!tpu.dma_semaphore, #tpu.memory_space<semaphore_mem>>)
    %dma_start3A_23 = arith.constant 1 : i32
    %dma_start3A_24 = arith.constant 0 : i32
    %dma_start3A_25 = tpu.memref_slice %arg5[%dma_start3A_23, %dma_start3A_24] : memref<4x128xi32, #tpu.memory_space<vmem>> -> memref<1x128xi32, #tpu.memory_space<vmem>>
    %dma_start3A_26 = tpu.memref_squeeze %dma_start3A_25 : memref<1x128xi32, #tpu.memory_space<vmem>> -> memref<128xi32, #tpu.memory_space<vmem>>
    %dma_start3A_27 = arith.constant 0 : i32
    %dma_start3A_28 = arith.constant 0 : i32
    %dma_start3A_29 = tpu.memref_slice %arg3[%dma_start3A_27, %dma_start3A_28] : memref<100000x64xf32, #tpu.memory_space<hbm>> -> memref<100000x64xf32, #tpu.memory_space<hbm>>
    tpu.enqueue_indirect_dma source(%dma_start3A_29 : memref<100000x64xf32, #tpu.memory_space<hbm>>) target(%arg7 : memref<128x64xf32, #tpu.memory_space<vmem>>) offsets(%dma_start3A_26 : memref<128xi32, #tpu.memory_space<vmem>>) semaphore(%arg9 : memref<!tpu.dma_semaphore, #tpu.memory_space<semaphore_mem>>)
    %dma_wait3A_30 = arith.constant 1 : i32
    %dma_wait3A_31 = arith.constant 0 : i32
    %dma_wait3A_32 = tpu.memref_slice %arg5[%dma_wait3A_30, %dma_wait3A_31] : memref<4x128xi32, #tpu.memory_space<vmem>> -> memref<1x128xi32, #tpu.memory_space<vmem>>
    %dma_wait3A_33 = tpu.memref_squeeze %dma_wait3A_32 : memref<1x128xi32, #tpu.memory_space<vmem>> -> memref<128xi32, #tpu.memory_space<vmem>>
    %dma_wait3A_34 = arith.constant 0 : i32
    %dma_wait3A_35 = arith.constant 0 : i32
    %dma_wait3A_36 = tpu.memref_slice %arg3[%dma_wait3A_34, %dma_wait3A_35] : memref<100000x64xf32, #tpu.memory_space<hbm>> -> memref<100000x64xf32, #tpu.memory_space<hbm>>
    tpu.wait_indirect_dma semaphore(%arg9 : memref<!tpu.dma_semaphore, #tpu.memory_space<semaphore_mem>>) src(%dma_wait3A_36 : memref<100000x64xf32, #tpu.memory_space<hbm>>) dst(%arg7 : memref<128x64xf32, #tpu.memory_space<vmem>>)
    %add3A_37 = arith.constant 128 : i32
    %add3A_38 = arith.addi %mul3A_2, %add3A_37 : i32
    %dma_start3A_39 = arith.constant 0 : i32
    %dma_start3A_40 = tpu.memref_slice %arg4[%add3A_38, %dma_start3A_39] : memref<16384x64xf32, #tpu.memory_space<hbm>> -> memref<128x64xf32, #tpu.memory_space<hbm>>
    %dma_start3A_41 = arith.constant 0 : i32
    %dma_start3A_42 = tpu.memref_slice %arg4[%add3A_38, %dma_start3A_41] : memref<16384x64xf32, #tpu.memory_space<hbm>> -> memref<128x64xf32, #tpu.memory_space<hbm>>
    tpu.enqueue_dma source(%arg7 : memref<128x64xf32, #tpu.memory_space<vmem>>) target(%dma_start3A_42 : memref<128x64xf32, #tpu.memory_space<hbm>>) target_semaphore(%arg11 : memref<!tpu.dma_semaphore, #tpu.memory_space<semaphore_mem>>)
    %dma_wait3A_43 = arith.constant 0 : i32
    %dma_wait3A_44 = tpu.memref_slice %arg4[%add3A_18, %dma_wait3A_43] : memref<16384x64xf32, #tpu.memory_space<hbm>> -> memref<128x64xf32, #tpu.memory_space<hbm>>
    %dma_wait3A_45 = arith.constant 0 : i32
    %dma_wait3A_46 = tpu.memref_slice %arg4[%add3A_18, %dma_wait3A_45] : memref<16384x64xf32, #tpu.memory_space<hbm>> -> memref<128x64xf32, #tpu.memory_space<hbm>>
    tpu.wait_dma2 semaphore(%arg10 : memref<!tpu.dma_semaphore, #tpu.memory_space<semaphore_mem>>) src(%arg6 : memref<128x64xf32, #tpu.memory_space<vmem>>) dst(%dma_wait3A_46 : memref<128x64xf32, #tpu.memory_space<hbm>>)
    %dma_start3A_47 = arith.constant 2 : i32
    %dma_start3A_48 = arith.constant 0 : i32
    %dma_start3A_49 = tpu.memref_slice %arg5[%dma_start3A_47, %dma_start3A_48] : memref<4x128xi32, #tpu.memory_space<vmem>> -> memref<1x128xi32, #tpu.memory_space<vmem>>
    %dma_start3A_50 = tpu.memref_squeeze %dma_start3A_49 : memref<1x128xi32, #tpu.memory_space<vmem>> -> memref<128xi32, #tpu.memory_space<vmem>>
    %dma_start3A_51 = arith.constant 0 : i32
    %dma_start3A_52 = arith.constant 0 : i32
    %dma_start3A_53 = tpu.memref_slice %arg3[%dma_start3A_51, %dma_start3A_52] : memref<100000x64xf32, #tpu.memory_space<hbm>> -> memref<100000x64xf32, #tpu.memory_space<hbm>>
    tpu.enqueue_indirect_dma source(%dma_start3A_53 : memref<100000x64xf32, #tpu.memory_space<hbm>>) target(%arg6 : memref<128x64xf32, #tpu.memory_space<vmem>>) offsets(%dma_start3A_50 : memref<128xi32, #tpu.memory_space<vmem>>) semaphore(%arg8 : memref<!tpu.dma_semaphore, #tpu.memory_space<semaphore_mem>>)
    %dma_wait3A_54 = arith.constant 2 : i32
    %dma_wait3A_55 = arith.constant 0 : i32
    %dma_wait3A_56 = tpu.memref_slice %arg5[%dma_wait3A_54, %dma_wait3A_55] : memref<4x128xi32, #tpu.memory_space<vmem>> -> memref<1x128xi32, #tpu.memory_space<vmem>>
    %dma_wait3A_57 = tpu.memref_squeeze %dma_wait3A_56 : memref<1x128xi32, #tpu.memory_space<vmem>> -> memref<128xi32, #tpu.memory_space<vmem>>
    %dma_wait3A_58 = arith.constant 0 : i32
    %dma_wait3A_59 = arith.constant 0 : i32
    %dma_wait3A_60 = tpu.memref_slice %arg3[%dma_wait3A_58, %dma_wait3A_59] : memref<100000x64xf32, #tpu.memory_space<hbm>> -> memref<100000x64xf32, #tpu.memory_space<hbm>>
    tpu.wait_indirect_dma semaphore(%arg8 : memref<!tpu.dma_semaphore, #tpu.memory_space<semaphore_mem>>) src(%dma_wait3A_60 : memref<100000x64xf32, #tpu.memory_space<hbm>>) dst(%arg6 : memref<128x64xf32, #tpu.memory_space<vmem>>)
    %add3A_61 = arith.constant 256 : i32
    %add3A_62 = arith.addi %mul3A_2, %add3A_61 : i32
    %dma_start3A_63 = arith.constant 0 : i32
    %dma_start3A_64 = tpu.memref_slice %arg4[%add3A_62, %dma_start3A_63] : memref<16384x64xf32, #tpu.memory_space<hbm>> -> memref<128x64xf32, #tpu.memory_space<hbm>>
    %dma_start3A_65 = arith.constant 0 : i32
    %dma_start3A_66 = tpu.memref_slice %arg4[%add3A_62, %dma_start3A_65] : memref<16384x64xf32, #tpu.memory_space<hbm>> -> memref<128x64xf32, #tpu.memory_space<hbm>>
    tpu.enqueue_dma source(%arg6 : memref<128x64xf32, #tpu.memory_space<vmem>>) target(%dma_start3A_66 : memref<128x64xf32, #tpu.memory_space<hbm>>) target_semaphore(%arg10 : memref<!tpu.dma_semaphore, #tpu.memory_space<semaphore_mem>>)
    %dma_wait3A_67 = arith.constant 0 : i32
    %dma_wait3A_68 = tpu.memref_slice %arg4[%add3A_38, %dma_wait3A_67] : memref<16384x64xf32, #tpu.memory_space<hbm>> -> memref<128x64xf32, #tpu.memory_space<hbm>>
    %dma_wait3A_69 = arith.constant 0 : i32
    %dma_wait3A_70 = tpu.memref_slice %arg4[%add3A_38, %dma_wait3A_69] : memref<16384x64xf32, #tpu.memory_space<hbm>> -> memref<128x64xf32, #tpu.memory_space<hbm>>
    tpu.wait_dma2 semaphore(%arg11 : memref<!tpu.dma_semaphore, #tpu.memory_space<semaphore_mem>>) src(%arg7 : memref<128x64xf32, #tpu.memory_space<vmem>>) dst(%dma_wait3A_70 : memref<128x64xf32, #tpu.memory_space<hbm>>)
    %dma_start3A_71 = arith.constant 3 : i32
    %dma_start3A_72 = arith.constant 0 : i32
    %dma_start3A_73 = tpu.memref_slice %arg5[%dma_start3A_71, %dma_start3A_72] : memref<4x128xi32, #tpu.memory_space<vmem>> -> memref<1x128xi32, #tpu.memory_space<vmem>>
    %dma_start3A_74 = tpu.memref_squeeze %dma_start3A_73 : memref<1x128xi32, #tpu.memory_space<vmem>> -> memref<128xi32, #tpu.memory_space<vmem>>
    %dma_start3A_75 = arith.constant 0 : i32
    %dma_start3A_76 = arith.constant 0 : i32
    %dma_start3A_77 = tpu.memref_slice %arg3[%dma_start3A_75, %dma_start3A_76] : memref<100000x64xf32, #tpu.memory_space<hbm>> -> memref<100000x64xf32, #tpu.memory_space<hbm>>
    tpu.enqueue_indirect_dma source(%dma_start3A_77 : memref<100000x64xf32, #tpu.memory_space<hbm>>) target(%arg7 : memref<128x64xf32, #tpu.memory_space<vmem>>) offsets(%dma_start3A_74 : memref<128xi32, #tpu.memory_space<vmem>>) semaphore(%arg9 : memref<!tpu.dma_semaphore, #tpu.memory_space<semaphore_mem>>)
    %dma_wait3A_78 = arith.constant 3 : i32
    %dma_wait3A_79 = arith.constant 0 : i32
    %dma_wait3A_80 = tpu.memref_slice %arg5[%dma_wait3A_78, %dma_wait3A_79] : memref<4x128xi32, #tpu.memory_space<vmem>> -> memref<1x128xi32, #tpu.memory_space<vmem>>
    %dma_wait3A_81 = tpu.memref_squeeze %dma_wait3A_80 : memref<1x128xi32, #tpu.memory_space<vmem>> -> memref<128xi32, #tpu.memory_space<vmem>>
    %dma_wait3A_82 = arith.constant 0 : i32
    %dma_wait3A_83 = arith.constant 0 : i32
    %dma_wait3A_84 = tpu.memref_slice %arg3[%dma_wait3A_82, %dma_wait3A_83] : memref<100000x64xf32, #tpu.memory_space<hbm>> -> memref<100000x64xf32, #tpu.memory_space<hbm>>
    tpu.wait_indirect_dma semaphore(%arg9 : memref<!tpu.dma_semaphore, #tpu.memory_space<semaphore_mem>>) src(%dma_wait3A_84 : memref<100000x64xf32, #tpu.memory_space<hbm>>) dst(%arg7 : memref<128x64xf32, #tpu.memory_space<vmem>>)
    %add3A_85 = arith.constant 384 : i32
    %add3A_86 = arith.addi %mul3A_2, %add3A_85 : i32
    %dma_start3A_87 = arith.constant 0 : i32
    %dma_start3A_88 = tpu.memref_slice %arg4[%add3A_86, %dma_start3A_87] : memref<16384x64xf32, #tpu.memory_space<hbm>> -> memref<128x64xf32, #tpu.memory_space<hbm>>
    %dma_start3A_89 = arith.constant 0 : i32
    %dma_start3A_90 = tpu.memref_slice %arg4[%add3A_86, %dma_start3A_89] : memref<16384x64xf32, #tpu.memory_space<hbm>> -> memref<128x64xf32, #tpu.memory_space<hbm>>
    tpu.enqueue_dma source(%arg7 : memref<128x64xf32, #tpu.memory_space<vmem>>) target(%dma_start3A_90 : memref<128x64xf32, #tpu.memory_space<hbm>>) target_semaphore(%arg11 : memref<!tpu.dma_semaphore, #tpu.memory_space<semaphore_mem>>)
    %dma_wait3A_91 = arith.constant 0 : i32
    %dma_wait3A_92 = tpu.memref_slice %arg4[%add3A_62, %dma_wait3A_91] : memref<16384x64xf32, #tpu.memory_space<hbm>> -> memref<128x64xf32, #tpu.memory_space<hbm>>
    %dma_wait3A_93 = arith.constant 0 : i32
    %dma_wait3A_94 = tpu.memref_slice %arg4[%add3A_62, %dma_wait3A_93] : memref<16384x64xf32, #tpu.memory_space<hbm>> -> memref<128x64xf32, #tpu.memory_space<hbm>>
    tpu.wait_dma2 semaphore(%arg10 : memref<!tpu.dma_semaphore, #tpu.memory_space<semaphore_mem>>) src(%arg6 : memref<128x64xf32, #tpu.memory_space<vmem>>) dst(%dma_wait3A_94 : memref<128x64xf32, #tpu.memory_space<hbm>>)
    %dma_wait3A_95 = arith.constant 0 : i32
    %dma_wait3A_96 = tpu.memref_slice %arg4[%add3A_86, %dma_wait3A_95] : memref<16384x64xf32, #tpu.memory_space<hbm>> -> memref<128x64xf32, #tpu.memory_space<hbm>>
    %dma_wait3A_97 = arith.constant 0 : i32
    %dma_wait3A_98 = tpu.memref_slice %arg4[%add3A_86, %dma_wait3A_97] : memref<16384x64xf32, #tpu.memory_space<hbm>> -> memref<128x64xf32, #tpu.memory_space<hbm>>
    tpu.wait_dma2 semaphore(%arg11 : memref<!tpu.dma_semaphore, #tpu.memory_space<semaphore_mem>>) src(%arg7 : memref<128x64xf32, #tpu.memory_space<vmem>>) dst(%dma_wait3A_98 : memref<128x64xf32, #tpu.memory_space<hbm>>)
    return
  }
}

</mosaic_0001>

<sc_bundles>
// kernel: kernel.4.cloned.1.call-start
scs
__scs_entry_jumppad:
0x0: {  	(pc) =	sbr.rel $0x88, $3  }
0x1: {  	(tag) =	ssettag $0x0;
	lr =	simm.s32 $0x1  }
0x2: {  	[smem:$0x3F9E] =	sst lr;
	_ =	strace $0xD0000000  }
0x3: {  	_ = 	snop  }
0x4: {  	_ = 	snop  }
0x5: {  	_ = 	snop  }
0x6: {  	_ = 	snop  }
0x7: {  	_ = 	snop  }
__scs_overlays_trampoline_lowered:
0x8: {  	[smem:$0x3FAD] =	sst s0  }
0x9: {  	[smem:$0x3FAE] =	sst s1  }
0xa: {  	[smem:$0x3FAF] =	sst s2  }
0xb: {  	[smem:$0x3FB0] =	sst s3  }
0xc: {  	[smem:$0x3FB1] =	sst s4  }
0xd: {  	[smem:$0x3FB2] =	sst s5  }
0xe: {  	[smem:$0x3FB3] =	sst s6  }
0xf: {  	[smem:$0x3FB4] =	sst s7  }
0x10: {  	[smem:$0x3FB5] =	sst s8  }
0x11: {  	[smem:$0x3FB6] =	sst s9;
	s0 =	simm.s32 @!p0 $0x0  }
0x12: {  	s1 =	sld [smem:$0x3F9C];
	s0 =	simm.s32 @p0 $0x1  }
0x13: {  	[smem:$0x3FB7] =	sst s0;
	s0 =	simm.s32 @!p1 $0x0  }
0x14: {  	s2 =	sld [smem:$0x3F9B];
	s0 =	simm.s32 @p1 $0x1  }
0x15: {  	[smem:$0x3FB8] =	sst s0;
	s0 =	simm.s32 @!p2 $0x0  }
0x16: {  	s3 =	sld [smem:$0x3FDB];
	s0 =	simm.s32 @p2 $0x1  }
0x17: {  	s4 =	simm.s32 $0x1BF5;
	[smem:$0x3FBA] =	sst s0  }
0x18: {  	s0 =	sld [smem:$0x3F9D];
	_ =	swait.ge [sflag:s4], $0x0  }
0x19: {  	s7 =	sld [smem:$0x3F9E]  }
0x1a: {  	s8 =	sadd.s32 $0xFFFFE003, lr  }
0x1b: {  	s9 =	sadd.s32 $0xFFFFFEF7, lr;
	s5 =	simm.s32 $0xFFFFFFFF;
	p2 =	slt.u32 s8, $0xFFFFF086  }
0x1c: {  	p1 =	slt.u32 s9, $0xF7A;
	s5 =	simm.s32 @!p2 $0x0  }
0x1d: {  	s5 =	simm.s32 @p1 $0x1;
	p0 =	seq.s32 s7, s2  }
0x1e: {  	s7 =	smul.u32 @!p0 $0xF7A, s2;
	p2 =	seq.s32 @!p0 s5, $0x0  }
0x1f: {  	s9 =	smul.u32 $0xF7A, s1;
	s8 =	simm.s32 @!p0 $0x1BF5;
	p2 =	por !p2, p0  }
0x20: {  	[sflag:s8] =	ssyncset.s32 @!p0 $0xFFFFF086;
	s6 =	sadd.s32 @!p0 s3, s7;
	s7 =	simm.s32 @!p0 $0x108  }
0x21: {  	s3 =	sadd.s32 s3, s9;
	s6 =	sadd.s32 @!p0 $0x88, s6;
	s7 =	simm.s32 @p2 $0x1082  }
0x22: {  	[simem:s7], [sflag:s8] =	dma.local @!p0 [hbm:s6], $0xF7A  }
0x23: {  	s9 =	sor.u32 $0xD0000000, s2;
	s6 =	simm.s32 $0x108;
	_ =	swait.ge @!p0 [sflag:s8], $0x0  }
0x24: {  	s3 =	sadd.s32 $0x88, s3;
	s6 =	simm.s32 @!p1 $0x1082;
	[sflag:s4] =	ssyncset.s32 $0xFFFFF086  }
0x25: {  	[simem:s6], [sflag:s4] =	dma.local [hbm:s3], $0xF7A  }
0x26: {  	[smem:$0x3F9E] =	sst s1;
	(tag) =	ssettag s2;
	_ =	strace s9  }
0x27: {  	s1 =	sld [smem:$0x3FAE]  }
0x28: {  	s2 =	sld [smem:$0x3FAF]  }
0x29: {  	s4 =	sld [smem:$0x3FB1]  }
0x2a: {  	p0 =	seq.s32 s5, $0x0;
	s5 =	sld [smem:$0x3FB2]  }
0x2b: {  	s6 =	sld [smem:$0x3FB3]  }
0x2c: {  	s7 =	sld [smem:$0x3FB4]  }
0x2d: {  	s3 =	simm.s32 $0x108;
	s8 =	sld [smem:$0x3FB5]  }
0x2e: {  	s3 =	simm.s32 @!p0 $0x1082;
	s9 =	sld [smem:$0x3FB6]  }
0x2f: {  	lr =	sadd.s32 s0, s3;
	s0 =	sld [smem:$0x3FAD]  }
0x30: {  	s3 =	sld [smem:$0x3FB0]  }
0x31: {  	[smem:$0x3FB9] =	sst s10  }
0x32: {  	s10 =	sld [smem:$0x3FB7];
	_ =	sdelay $0x3  }
0x33: {  	p0 =	seq.s32 s10, $0x1;
	s10 =	sld [smem:$0x3FB9];
	_ =	sdelay $0x3  }
0x34: {  	[smem:$0x3FB9] =	sst s10  }
0x35: {  	s10 =	sld [smem:$0x3FB8];
	_ =	sdelay $0x3  }
0x36: {  	p1 =	seq.s32 s10, $0x1;
	s10 =	sld [smem:$0x3FB9];
	_ =	sdelay $0x3  }
0x37: {  	[smem:$0x3FB9] =	sst s10  }
0x38: {  	s10 =	sld [smem:$0x3FBA]  }
0x39: {  	_ = 	snop;
	(pc) =	sbr.ind lr, $3  }
0x3a: {  	_ = 	snop  }
0x3b: {  	_ = 	snop  }
0x3c: {  	p2 =	seq.s32 s10, $0x1;
	s10 =	sld [smem:$0x3FB9]  }
0x3d: {  	_ =	shalt  }
0x3e: {  	_ =	shalt  }
0x3f: {  	_ =	shalt  }
0x40: {  	_ =	shalt  }
0x41: {  	_ =	shalt  }
0x42: {  	_ =	shalt  }
0x43: {  	_ =	shalt  }
0x44: {  	_ =	shalt  }
0x45: {  	_ =	shalt  }
0x46: {  	_ =	shalt  }
0x47: {  	_ =	shalt  }
0x48: {  	_ =	shalt  }
0x49: {  	_ =	shalt  }
0x4a: {  	_ =	shalt  }
0x4b: {  	_ =	shalt  }
0x4c: {  	_ =	shalt  }
0x4d: {  	_ =	shalt  }
0x4e: {  	_ =	shalt  }
0x4f: {  	_ =	shalt  }
0x50: {  	_ =	shalt  }
0x51: {  	_ =	shalt  }
0x52: {  	_ =	shalt  }
0x53: {  	_ =	shalt  }
0x54: {  	_ =	shalt  }
0x55: {  	_ =	shalt  }
0x56: {  	_ =	shalt  }
0x57: {  	_ =	shalt  }
0x58: {  	_ =	shalt  }
0x59: {  	_ =	shalt  }
0x5a: {  	_ =	shalt  }
0x5b: {  	_ =	shalt  }
0x5c: {  	_ =	shalt  }
0x5d: {  	_ =	shalt  }
0x5e: {  	_ =	shalt  }
0x5f: {  	_ =	shalt  }
0x60: {  	_ =	shalt  }
0x61: {  	_ =	shalt  }
0x62: {  	_ =	shalt  }
0x63: {  	_ =	shalt  }
0x64: {  	_ =	shalt  }
0x65: {  	_ =	shalt  }
0x66: {  	_ =	shalt  }
0x67: {  	_ =	shalt  }
0x68: {  	_ =	shalt  }
0x69: {  	_ =	shalt  }
0x6a: {  	_ =	shalt  }
0x6b: {  	_ =	shalt  }
0x6c: {  	_ =	shalt  }
0x6d: {  	_ =	shalt  }
0x6e: {  	_ =	shalt  }
0x6f: {  	_ =	shalt  }
0x70: {  	_ =	shalt  }
0x71: {  	_ =	shalt  }
0x72: {  	_ =	shalt  }
0x73: {  	_ =	shalt  }
0x74: {  	_ =	shalt  }
0x75: {  	_ =	shalt  }
0x76: {  	_ =	shalt  }
0x77: {  	_ =	shalt  }
0x78: {  	_ =	shalt  }
0x79: {  	_ =	shalt  }
0x7a: {  	_ =	shalt  }
0x7b: {  	_ =	shalt  }
0x7c: {  	_ =	shalt  }
0x7d: {  	_ =	shalt  }
0x7e: {  	_ =	shalt  }
0x7f: {  	_ =	shalt  }
0x80: {  	_ =	shalt  }
0x81: {  	_ =	shalt  }
0x82: {  	_ =	shalt  }
0x83: {  	_ =	shalt  }
0x84: {  	_ =	shalt  }
0x85: {  	_ =	shalt  }
0x86: {  	_ =	shalt  }
0x87: {  	_ =	shalt  }
.Lfunc_end0:
.L_simem_size_0:
called_computation_lowered:
.L_overlay_start_0:
0x88: {  	s2 =	sld [smem:$0x3FD9]  }
0x89: {  	s3 =	sld [smem:$0x3FFE];
	_ =	sdelay $0x1  }
0x8a: {  	s1 =	srdreg.scid  }
0x8b: {  	s0 =	sand.u32 $0x1, s1  }
0x8c: {  	s16 =	sshll.u32 s0, $0xA;
	s2 =	sadd.s32 s3, s2  }
0x8d: {  	s2 =	sadd.s32 s2, s16  }
0x8e: {  	[smem:$0x3FC5] =	sst s2  }
0x8f: {  	_ = 	snop  }
0x90: {  	s4 =	sld [smem:$0x3FD0];
	_ =	sdelay $0x1  }
0x91: {  	s2 =	sld [smem:$0x3FC9]  }
0x92: {  	s5 =	simm.s32 $0xB;
	s6 =	simm.s32 $0x10;
	s17 =	sld [smem:$0x3FC8]  }
0x93: {  	[smem:s6], [sflag:s5] =	dma.local [hbm:s4], $0x1  }
0x94: {  	_ =	swait.eq [sflag:s5], $0x1  }
0x95: {  	[sflag:s5] =	ssyncset.done $0x0  }
0x96: {  	[sflag:s5] =	ssyncadd.s32 $0xFFFFFFFF  }
0x97: {  	s18 =	sld [smem:$0x10];
	(tm) =	ssettm $0x1  }
0x98: {  	s19 =	sld [smem:$0x3FFB];
	_ =	sdelay $0x3  }
0x99: {  	_ =	strace s19  }
0x9a: {  	s4 =	sld [smem:$0x3FFC];
	_ =	sdelay $0x3  }
0x9b: {  	_ =	strace s4  }
0x9c: {  	s4 =	sld [smem:$0x3FFD];
	_ =	sdelay $0x3  }
0x9d: {  	_ =	strace s4  }
0x9e: {  	_ =	strace $0x8FFFFFFF  }
0x9f: {  	s20 =	sld [smem:$0x3FDB];
	_ =	sdelay $0x1  }
0xa0: {  	s21 =	simm.s32 $_scs_section_size  }
0xa1: {  	s7 =	simm.s32 $_size__tile_overlayer_lowered;
	s8 =	simm.s32 $_tile_overlayer_lowered  }
0xa2: {  	s9 =	simm.s32 $0x1BFF;
	s22 =	sshll.u32 s8, $0x1;
	s6 =	sadd.s32 s21, s20  }
0xa3: {  	s23 =	simm.s32 $0x0;
	s7 =	sshll.u32 s7, $0x1;
	s8 =	sadd.s32 s22, s6  }
0xa4: {  	[timem:s23], [sflag:s9] =	dma.local [hbm:s8], s7  }
0xa5: {  	_ =	swait.ge [sflag:s9], s7  }
0xa6: {  	s7 =	ssub.s32 $0x0, s7;
	[sflag:s9] =	ssyncset.done $0x0  }
0xa7: {  	[sflag:s9] =	ssyncadd.s32 s7;
	_ =	sdelay $0x1  }
0xa8: {  	s24 =	simm.s32 $0x1B8B  }
0xa9: {  	_ =	swait.ge [sflag:s24], $0x1  }
0xaa: {  	[sflag:s24] =	ssyncset.done $0x0  }
0xab: {  	[sflag:s24] =	ssyncadd.s32 $0xFFFFFFFF  }
0xac: {  	s7 =	sld [smem:$0x0]  }
0xad: {  	s8 =	sand.u32 $0xFFFFFFFE, s1  }
0xae: {  	p0 =	sne.s32 s1, s8  }
0xaf: {  	s8 =	sshll.u32 @p0 s8, $0xE  }
0xb0: {  	s8 =	sadd.s32 @p0 $0x11B8D, s8;
	s9 =	sshll.u32 @p0 s7, $0x11  }
0xb1: {  	s8 =	sor.u32 @p0 s9, s8  }
0xb2: {  	[sflag:s8] =	ssyncadd.remote.s32 @p0 $0x1;
	_ =	sdelay $0x1  }
0xb3: {  	s8 =	simm.s32 @p0 $0x1B8D  }
0xb4: {  	_ =	swait.eq @p0 [sflag:s8], $0x1  }
0xb5: {  	[sflag:s8] =	ssyncadd.s32 @p0 $0xFFFFFFFF  }
0xb6: {  	s9 =	sshll.u32 @!p0 s1, $0xE  }
0xb7: {  	s9 =	sor.u32 @!p0 $0x4000, s9;
	s8 =	simm.s32 @!p0 $0x1B8D  }
0xb8: {  	s7 =	sshll.u32 @!p0 s7, $0x11;
	s9 =	sadd.s32 @!p0 $0x11B8D, s9;
	_ =	swait.eq @!p0 [sflag:s8], $0x1  }
0xb9: {  	s7 =	sor.u32 @!p0 s7, s9;
	[sflag:s8] =	ssyncadd.s32 @!p0 $0xFFFFFFFF  }
0xba: {  	s25 =	simm.s32 $0x1B8E;
	[sflag:s7] =	ssyncadd.remote.s32 @!p0 $0x1  }
0xbb: {  	s26 =	simm.s32 $execute0_lowered;
	[smem:$0x3FD2] =	sst s25  }
0xbc: {  	s7 =	sshll.u32 s26, $0x1;
	_ =	strace $0x80000049;
	[dreg:$0x1] =	wrdreg $0xFFFFFFFF  }
0xbd: {  	s28 =	simm.s32 $_size_execute0_lowered;
	s6 =	sadd.s32 s6, s7;
	[dreg:$0x0] =	wrdreg $0x0  }
0xbe: {  	s7 =	sshll.u32 s28, $0x1;
	[dreg:$0x2] =	wrdreg s6  }
0xbf: {  	[dreg:$0x3] =	wrdreg s7  }
0xc0: {  	[dreg:$0x4] =	wrdreg $0xC0  }
0xc1: {  	_ =	task [dreg:s23], $0x5FFFF  }
0xc2: {  	[dreg:$0x1] =	wrdreg $0xFFFFFFFF  }
0xc3: {  	[dreg:$0x0] =	wrdreg $0x60  }
0xc4: {  	[dreg:$0x2] =	wrdreg s2  }
0xc5: {  	[dreg:$0x3] =	wrdreg s17  }
0xc6: {  	[dreg:$0x4] =	wrdreg s18  }
0xc7: {  	[dreg:$0x5] =	wrdreg $0x9  }
0xc8: {  	_ =	task.clear_ibuf [dreg:s23], $0x6FFFF;
	_ =	strace $0x90000049  }
0xc9: {  	s29 =	simm.s32 $0x9;
	_ =	strace $0x8000004B  }
0xca: {  	_ =	swait.ge [sflag:s29], $0x1  }
0xcb: {  	[sflag:s29] =	ssyncadd.s32 $0xFFFFFFFF  }
0xcc: {  	_ =	strace $0x9000004B  }
0xcd: {  	_ =	sfence  }
0xce: {  	s30 =	sld [smem:$0x0];
	_ =	sdelay $0x2  }
0xcf: {  	s31 =	sshll.u32 s1, $0xD;
	s1 =	sshrl.u32 s1, $0x2  }
0xd0: {  	s3 =	sand.u32 $0x4000, s31;
	s1 =	sadd.s32 s1, s30  }
0xd1: {  	s0 =	sor.u32 s3, s0;
	s1 =	sshll.u32 s1, $0x11  }
0xd2: {  	s0 =	sor.u32 s1, s0  }
0xd3: {  	s0 =	sadd.s32 $0x8F2B, s0  }
0xd4: {  	[sflag:s0] =	ssyncadd.remote.s32 $0x1  }
0xd5: {  	_ =	sfence.sel $0xFFFF  }
0xd6: {  	[dreg:$0x0] =	wrdreg $0xFFFFFFFF;
	(pc) =	sbr.abs _section_cstart, $3  }
0xd7: {  	[dreg:$0x1] =	wrdreg $0xFFFFFFFF  }
0xd8: {  	_ =	task.clear_ibuf [dreg:s23], $0x2FFFF;
	_ =	strace $0x9FFFFFFF  }
0xd9: {  	(tm) =	ssettm $0x7FFFFFFF  }
tec
execute0_lowered:
.L_overlay_start_1:
0x0: {  	(tag) =	ssettag $0x1  }
0x1: {  	s4 =	rddreg [dreg:$0x0]  }
0x2: {  	s1 =	rddreg [dreg:$0x1]  }
0x3: {  	s9 =	rddreg [dreg:$0x2];
	s2 =	srdreg.scid  }
0x4: {  	s0 =	rddreg [dreg:$0x3];
	s18 =	sand.u32 $0x1, s2  }
0x5: {  	s3 =	simm.s32 $0x0;
	s2 =	stileid.u32;
	s5 =	sshll.u32 s18, $0x6  }
0x6: {  	[smem:$0x7FF] =	sst s3;
	s6 =	sshll.u32 s2, $0x7;
	s4 =	sadd.s32 s4, s5  }
0x7: {  	_ =	strace $0x8000004A;
	s5 =	simm.s32 $0x5;
	s4 =	sadd.s32 s6, s4  }
0x8: {  	[tilespmem:s3], [sflag:$0x5] =	stream.linear.gather [hbm4b:s4+s3], $0x200, $0x38;
	[tilespmem:$0x8200] =	vst v63  }
0x9: {  	_ =	swait.ge [sflag:s5], $0x200  }
0xa: {  	s7 =	simm.s32 $0x200;
	[sflag:s5] =	ssyncset.done $0x0  }
0xb: {  	s8 =	simm.s32 $0x1;
	s6 =	simm.s32 $0x80;
	[sflag:s5] =	ssyncadd.s32 $0xFFFFFE00  }
0xc: {  	[tilespmem:s7], [sflag:$0x1] =	stream.indirect.gather [hbm4b:s1+s6], $0x80, s3, s6, $0xb8;
	[tilespmem:$0x8200] =	vst v63  }
0xd: {  	s10 =	sshll.u32 s2, $0xE;
	s11 =	sshll.u32 s18, $0xD;
	_ =	swait.ge [sflag:s8], $0x4000  }
0xe: {  	s10 =	sor.u32 s11, s10;
	[sflag:s8] =	ssyncset.done $0x0  }
0xf: {  	s9 =	sadd.s32 s9, s10;
	[sflag:s8] =	ssyncadd.s32 $0xFFFFC000  }
0x10: {  	[hbm4b:s9+s3] =	stream.linear.scatter [tilespmem:s7], [sflag:$0x3], $0x4000, $0x38;
	[tilespmem:$0x8200] =	vst v63  }
0x11: {  	s11 =	simm.s32 $0x2;
	s10 =	simm.s32 $0x4200  }
0x12: {  	[tilespmem:s10], [sflag:$0x2] =	stream.indirect.gather [hbm4b:s1+s6], $0x80, s6, s6, $0xb8;
	[tilespmem:$0x8200] =	vst v63  }
0x13: {  	_ =	swait.ge [sflag:s11], $0x4000  }
0x14: {  	[sflag:s11] =	ssyncset.done $0x0  }
0x15: {  	s13 =	simm.s32 $0x3;
	s12 =	sadd.s32 $0x800, s9;
	[sflag:s11] =	ssyncadd.s32 $0xFFFFC000  }
0x16: {  	[hbm4b:s12+s3] =	stream.linear.scatter [tilespmem:s10], [sflag:$0x4], $0x4000, $0x38;
	[tilespmem:$0x8200] =	vst v63  }
0x17: {  	_ =	swait.ge [sflag:s13], $0x4000  }
0x18: {  	[sflag:s13] =	ssyncset.done $0x0  }
0x19: {  	s14 =	simm.s32 $0x100;
	[sflag:s13] =	ssyncadd.s32 $0xFFFFC000  }
0x1a: {  	[tilespmem:s7], [sflag:$0x1] =	stream.indirect.gather [hbm4b:s1+s6], $0x80, s14, s6, $0xb8;
	[tilespmem:$0x8200] =	vst v63  }
0x1b: {  	_ =	swait.ge [sflag:s8], $0x4000  }
0x1c: {  	[sflag:s8] =	ssyncset.done $0x0  }
0x1d: {  	s15 =	simm.s32 $0x4;
	s16 =	sadd.s32 $0x1000, s9;
	[sflag:s8] =	ssyncadd.s32 $0xFFFFC000  }
0x1e: {  	[hbm4b:s16+s3] =	stream.linear.scatter [tilespmem:s7], [sflag:$0x3], $0x4000, $0x38;
	[tilespmem:$0x8200] =	vst v63  }
0x1f: {  	_ =	swait.ge [sflag:s15], $0x4000  }
0x20: {  	s19 =	ssub.s32 $0x2, s18;
	[sflag:s15] =	ssyncset.done $0x0  }
0x21: {  	s17 =	simm.s32 $0x180;
	s20 =	sshrl.u32 s19, $0x1;
	[sflag:s15] =	ssyncadd.s32 $0xFFFFC000  }
0x22: {  	[tilespmem:s10], [sflag:$0x2] =	stream.indirect.gather [hbm4b:s1+s6], $0x80, s17, s6, $0xb8;
	[tilespmem:$0x8200] =	vst v63  }
0x23: {  	s19 =	ssub.s32 s19, s20;
	_ =	swait.ge [sflag:s11], $0x4000  }
0x24: {  	s19 =	smax.u32 s19, $0x1;
	[sflag:s11] =	ssyncset.done $0x0  }
0x25: {  	s18 =	sadd.s32 $0x1800, s9;
	p0 =	sne.s32 s19, $0x1;
	[sflag:s11] =	ssyncadd.s32 $0xFFFFC000  }
0x26: {  	[hbm4b:s18+s3] =	stream.linear.scatter [tilespmem:s10], [sflag:$0x4], $0x4000, $0x38;
	[tilespmem:$0x8200] =	vst v63  }
.Ltmp0:
0x27: {  	_ =	swait.ge [sflag:s13], $0x4000;
	(pc) =	sbr.rel @!p0 .LBB2_2-.Ltmp0, $4  }
0x28: {  	[sflag:s13] =	ssyncset.done $0x0  }
0x29: {  	[sflag:s13] =	ssyncadd.s32 $0xFFFFC000  }
0x2a: {  	_ =	swait.ge [sflag:s15], $0x4000  }
0x2b: {  	s19 =	sadd.s32 $0xFFFFFFFF, s19;
	[sflag:s15] =	ssyncset.done $0x0  }
.LBB2_1:
0x2c: {  	p0 =	sne.s32 s19, $0x1;
	s19 =	sadd.s32 $0xFFFFFFFF, s19;
	[sflag:s15] =	ssyncadd.s32 $0xFFFFC000  }
0x2d: {  	[tilespmem:s3], [sflag:$0x5] =	stream.linear.gather [hbm4b:s4+s3], $0x200, $0x38;
	[tilespmem:$0x8200] =	vst v63  }
0x2e: {  	_ =	swait.ge [sflag:s5], $0x200  }
0x2f: {  	[sflag:s5] =	ssyncset.done $0x0  }
0x30: {  	[sflag:s5] =	ssyncadd.s32 $0xFFFFFE00  }
0x31: {  	[tilespmem:s7], [sflag:$0x1] =	stream.indirect.gather [hbm4b:s1+s6], $0x80, s3, s6, $0xb8;
	[tilespmem:$0x8200] =	vst v63  }
0x32: {  	_ =	swait.ge [sflag:s8], $0x4000  }
0x33: {  	[sflag:s8] =	ssyncset.done $0x0  }
0x34: {  	[sflag:s8] =	ssyncadd.s32 $0xFFFFC000  }
0x35: {  	[hbm4b:s9+s3] =	stream.linear.scatter [tilespmem:s7], [sflag:$0x3], $0x4000, $0x38;
	[tilespmem:$0x8200] =	vst v63  }
0x36: {  	_ = 	snop  }
0x37: {  	[tilespmem:s10], [sflag:$0x2] =	stream.indirect.gather [hbm4b:s1+s6], $0x80, s6, s6, $0xb8;
	[tilespmem:$0x8200] =	vst v63  }
0x38: {  	_ =	swait.ge [sflag:s11], $0x4000  }
0x39: {  	[sflag:s11] =	ssyncset.done $0x0  }
0x3a: {  	[sflag:s11] =	ssyncadd.s32 $0xFFFFC000  }
0x3b: {  	[hbm4b:s12+s3] =	stream.linear.scatter [tilespmem:s10], [sflag:$0x4], $0x4000, $0x38;
	[tilespmem:$0x8200] =	vst v63  }
0x3c: {  	_ =	swait.ge [sflag:s13], $0x4000  }
0x3d: {  	[sflag:s13] =	ssyncset.done $0x0  }
0x3e: {  	[sflag:s13] =	ssyncadd.s32 $0xFFFFC000  }
0x3f: {  	[tilespmem:s7], [sflag:$0x1] =	stream.indirect.gather [hbm4b:s1+s6], $0x80, s14, s6, $0xb8;
	[tilespmem:$0x8200] =	vst v63  }
0x40: {  	_ =	swait.ge [sflag:s8], $0x4000  }
0x41: {  	[sflag:s8] =	ssyncset.done $0x0  }
0x42: {  	[sflag:s8] =	ssyncadd.s32 $0xFFFFC000  }
0x43: {  	[hbm4b:s16+s3] =	stream.linear.scatter [tilespmem:s7], [sflag:$0x3], $0x4000, $0x38;
	[tilespmem:$0x8200] =	vst v63  }
0x44: {  	_ =	swait.ge [sflag:s15], $0x4000  }
0x45: {  	[sflag:s15] =	ssyncset.done $0x0  }
0x46: {  	[sflag:s15] =	ssyncadd.s32 $0xFFFFC000  }
0x47: {  	[tilespmem:s10], [sflag:$0x2] =	stream.indirect.gather [hbm4b:s1+s6], $0x80, s17, s6, $0xb8;
	[tilespmem:$0x8200] =	vst v63  }
0x48: {  	_ =	swait.ge [sflag:s11], $0x4000  }
0x49: {  	[sflag:s11] =	ssyncset.done $0x0  }
0x4a: {  	[sflag:s11] =	ssyncadd.s32 $0xFFFFC000  }
0x4b: {  	[hbm4b:s18+s3] =	stream.linear.scatter [tilespmem:s10], [sflag:$0x4], $0x4000, $0x38;
	[tilespmem:$0x8200] =	vst v63  }
.Ltmp1:
0x4c: {  	_ =	swait.ge [sflag:s13], $0x4000;
	(pc) =	sbr.rel @p0 .LBB2_1-.Ltmp1, $4  }
0x4d: {  	[sflag:s13] =	ssyncset.done $0x0  }
0x4e: {  	[sflag:s13] =	ssyncadd.s32 $0xFFFFC000  }
0x4f: {  	_ =	swait.ge [sflag:s15], $0x4000  }
0x50: {  	[sflag:s15] =	ssyncset.done $0x0  }
.LBB2_2:
0x51: {  	[sflag:s15] =	ssyncadd.s32 $0xFFFFC000  }
0x52: {  	_ =	sfence.sel $0x180000  }
0x53: {  	[bflag:$0x0] =	sbarrier.arrive $0xFFFF  }
0x54: {  	p0 =	sne.s32 s2, $0x0;
	_ =	strace $0x9000004A  }
0x55: {  	s0 =	sadd.s32 @!p0 $0x100000, s0;
	[bflag:$0x2] =	sbarrier.arrive $0xFFFF  }
0x56: {  	[sflag:s0] =	ssyncadd.tile.s32 @!p0 $0x1;
	_ =	shalt  }
.Lfunc_end2:
_tile_overlayer_lowered:
.L_overlay_start_2:
0x57: {  	(tag) =	ssettag $0x2  }
0x58: {  	s0 =	rddreg [dreg:$0x0];
	s2 =	stileid.u32  }
0x59: {  	s1 =	rddreg [dreg:$0x1];
	p0 =	sne.s32 s2, $0x0  }
0x5a: {  	s3 =	rddreg [dreg:$0x2];
	[bflag:$0x3] =	sbarrier.arrive $0xFFFF;
	s2 =	simm.s32 @!p0 $0x1C05  }
0x5b: {  	[timem:s3], [sflag:s2] =	dma.local @!p0 [hbm:s0], s1  }
0x5c: {  	s0 =	simm.s32 @!p0 $0x5  }
0x5d: {  	_ =	swait.ge @!p0 [sflag:s0], s1  }
0x5e: {  	s1 =	ssub.s32 @!p0 $0x0, s1;
	[sflag:s0] =	ssyncset.done @!p0 $0x0  }
0x5f: {  	[sflag:s0] =	ssyncadd.s32 @!p0 s1  }
0x60: {  	[bflag:$0x3] =	sbarrier.arrive $0xFFFF  }
0x61: {  	_ =	shalt  }

// kernel: kernel.7.cloned.1.call-start
scs
__scs_entry_jumppad:
0x0: {  	(pc) =	sbr.rel $0x88, $3  }
0x1: {  	(tag) =	ssettag $0x0;
	lr =	simm.s32 $0x1  }
0x2: {  	[smem:$0x3F9E] =	sst lr;
	_ =	strace $0xD0000000  }
0x3: {  	_ = 	snop  }
0x4: {  	_ = 	snop  }
0x5: {  	_ = 	snop  }
0x6: {  	_ = 	snop  }
0x7: {  	_ = 	snop  }
__scs_overlays_trampoline_lowered:
0x8: {  	[smem:$0x3FAD] =	sst s0  }
0x9: {  	[smem:$0x3FAE] =	sst s1  }
0xa: {  	[smem:$0x3FAF] =	sst s2  }
0xb: {  	[smem:$0x3FB0] =	sst s3  }
0xc: {  	[smem:$0x3FB1] =	sst s4  }
0xd: {  	[smem:$0x3FB2] =	sst s5  }
0xe: {  	[smem:$0x3FB3] =	sst s6  }
0xf: {  	[smem:$0x3FB4] =	sst s7  }
0x10: {  	[smem:$0x3FB5] =	sst s8  }
0x11: {  	[smem:$0x3FB6] =	sst s9;
	s0 =	simm.s32 @!p0 $0x0  }
0x12: {  	s1 =	sld [smem:$0x3F9C];
	s0 =	simm.s32 @p0 $0x1  }
0x13: {  	[smem:$0x3FB7] =	sst s0;
	s0 =	simm.s32 @!p1 $0x0  }
0x14: {  	s2 =	sld [smem:$0x3F9B];
	s0 =	simm.s32 @p1 $0x1  }
0x15: {  	[smem:$0x3FB8] =	sst s0;
	s0 =	simm.s32 @!p2 $0x0  }
0x16: {  	s3 =	sld [smem:$0x3FDB];
	s0 =	simm.s32 @p2 $0x1  }
0x17: {  	s4 =	simm.s32 $0x1BF5;
	[smem:$0x3FBA] =	sst s0  }
0x18: {  	s0 =	sld [smem:$0x3F9D];
	_ =	swait.ge [sflag:s4], $0x0  }
0x19: {  	s7 =	sld [smem:$0x3F9E]  }
0x1a: {  	s8 =	sadd.s32 $0xFFFFE003, lr  }
0x1b: {  	s9 =	sadd.s32 $0xFFFFFEF7, lr;
	s5 =	simm.s32 $0xFFFFFFFF;
	p2 =	slt.u32 s8, $0xFFFFF086  }
0x1c: {  	p1 =	slt.u32 s9, $0xF7A;
	s5 =	simm.s32 @!p2 $0x0  }
0x1d: {  	s5 =	simm.s32 @p1 $0x1;
	p0 =	seq.s32 s7, s2  }
0x1e: {  	s7 =	smul.u32 @!p0 $0xF7A, s2;
	p2 =	seq.s32 @!p0 s5, $0x0  }
0x1f: {  	s9 =	smul.u32 $0xF7A, s1;
	s8 =	simm.s32 @!p0 $0x1BF5;
	p2 =	por !p2, p0  }
0x20: {  	[sflag:s8] =	ssyncset.s32 @!p0 $0xFFFFF086;
	s6 =	sadd.s32 @!p0 s3, s7;
	s7 =	simm.s32 @!p0 $0x108  }
0x21: {  	s3 =	sadd.s32 s3, s9;
	s6 =	sadd.s32 @!p0 $0x88, s6;
	s7 =	simm.s32 @p2 $0x1082  }
0x22: {  	[simem:s7], [sflag:s8] =	dma.local @!p0 [hbm:s6], $0xF7A  }
0x23: {  	s9 =	sor.u32 $0xD0000000, s2;
	s6 =	simm.s32 $0x108;
	_ =	swait.ge @!p0 [sflag:s8], $0x0  }
0x24: {  	s3 =	sadd.s32 $0x88, s3;
	s6 =	simm.s32 @!p1 $0x1082;
	[sflag:s4] =	ssyncset.s32 $0xFFFFF086  }
0x25: {  	[simem:s6], [sflag:s4] =	dma.local [hbm:s3], $0xF7A  }
0x26: {  	[smem:$0x3F9E] =	sst s1;
	(tag) =	ssettag s2;
	_ =	strace s9  }
0x27: {  	s1 =	sld [smem:$0x3FAE]  }
0x28: {  	s2 =	sld [smem:$0x3FAF]  }
0x29: {  	s4 =	sld [smem:$0x3FB1]  }
0x2a: {  	p0 =	seq.s32 s5, $0x0;
	s5 =	sld [smem:$0x3FB2]  }
0x2b: {  	s6 =	sld [smem:$0x3FB3]  }
0x2c: {  	s7 =	sld [smem:$0x3FB4]  }
0x2d: {  	s3 =	simm.s32 $0x108;
	s8 =	sld [smem:$0x3FB5]  }
0x2e: {  	s3 =	simm.s32 @!p0 $0x1082;
	s9 =	sld [smem:$0x3FB6]  }
0x2f: {  	lr =	sadd.s32 s0, s3;
	s0 =	sld [smem:$0x3FAD]  }
0x30: {  	s3 =	sld [smem:$0x3FB0]  }
0x31: {  	[smem:$0x3FB9] =	sst s10  }
0x32: {  	s10 =	sld [smem:$0x3FB7];
	_ =	sdelay $0x3  }
0x33: {  	p0 =	seq.s32 s10, $0x1;
	s10 =	sld [smem:$0x3FB9];
	_ =	sdelay $0x3  }
0x34: {  	[smem:$0x3FB9] =	sst s10  }
0x35: {  	s10 =	sld [smem:$0x3FB8];
	_ =	sdelay $0x3  }
0x36: {  	p1 =	seq.s32 s10, $0x1;
	s10 =	sld [smem:$0x3FB9];
	_ =	sdelay $0x3  }
0x37: {  	[smem:$0x3FB9] =	sst s10  }
0x38: {  	s10 =	sld [smem:$0x3FBA]  }
0x39: {  	_ = 	snop;
	(pc) =	sbr.ind lr, $3  }
0x3a: {  	_ = 	snop  }
0x3b: {  	_ = 	snop  }
0x3c: {  	p2 =	seq.s32 s10, $0x1;
	s10 =	sld [smem:$0x3FB9]  }
0x3d: {  	_ =	shalt  }
0x3e: {  	_ =	shalt  }
0x3f: {  	_ =	shalt  }
0x40: {  	_ =	shalt  }
0x41: {  	_ =	shalt  }
0x42: {  	_ =	shalt  }
0x43: {  	_ =	shalt  }
0x44: {  	_ =	shalt  }
0x45: {  	_ =	shalt  }
0x46: {  	_ =	shalt  }
0x47: {  	_ =	shalt  }
0x48: {  	_ =	shalt  }
0x49: {  	_ =	shalt  }
0x4a: {  	_ =	shalt  }
0x4b: {  	_ =	shalt  }
0x4c: {  	_ =	shalt  }
0x4d: {  	_ =	shalt  }
0x4e: {  	_ =	shalt  }
0x4f: {  	_ =	shalt  }
0x50: {  	_ =	shalt  }
0x51: {  	_ =	shalt  }
0x52: {  	_ =	shalt  }
0x53: {  	_ =	shalt  }
0x54: {  	_ =	shalt  }
0x55: {  	_ =	shalt  }
0x56: {  	_ =	shalt  }
0x57: {  	_ =	shalt  }
0x58: {  	_ =	shalt  }
0x59: {  	_ =	shalt  }
0x5a: {  	_ =	shalt  }
0x5b: {  	_ =	shalt  }
0x5c: {  	_ =	shalt  }
0x5d: {  	_ =	shalt  }
0x5e: {  	_ =	shalt  }
0x5f: {  	_ =	shalt  }
0x60: {  	_ =	shalt  }
0x61: {  	_ =	shalt  }
0x62: {  	_ =	shalt  }
0x63: {  	_ =	shalt  }
0x64: {  	_ =	shalt  }
0x65: {  	_ =	shalt  }
0x66: {  	_ =	shalt  }
0x67: {  	_ =	shalt  }
0x68: {  	_ =	shalt  }
0x69: {  	_ =	shalt  }
0x6a: {  	_ =	shalt  }
0x6b: {  	_ =	shalt  }
0x6c: {  	_ =	shalt  }
0x6d: {  	_ =	shalt  }
0x6e: {  	_ =	shalt  }
0x6f: {  	_ =	shalt  }
0x70: {  	_ =	shalt  }
0x71: {  	_ =	shalt  }
0x72: {  	_ =	shalt  }
0x73: {  	_ =	shalt  }
0x74: {  	_ =	shalt  }
0x75: {  	_ =	shalt  }
0x76: {  	_ =	shalt  }
0x77: {  	_ =	shalt  }
0x78: {  	_ =	shalt  }
0x79: {  	_ =	shalt  }
0x7a: {  	_ =	shalt  }
0x7b: {  	_ =	shalt  }
0x7c: {  	_ =	shalt  }
0x7d: {  	_ =	shalt  }
0x7e: {  	_ =	shalt  }
0x7f: {  	_ =	shalt  }
0x80: {  	_ =	shalt  }
0x81: {  	_ =	shalt  }
0x82: {  	_ =	shalt  }
0x83: {  	_ =	shalt  }
0x84: {  	_ =	shalt  }
0x85: {  	_ =	shalt  }
0x86: {  	_ =	shalt  }
0x87: {  	_ =	shalt  }
.Lfunc_end0:
.L_simem_size_0:
called_computation.1_lowered:
.L_overlay_start_0:
0x88: {  	s2 =	sld [smem:$0x3FD9]  }
0x89: {  	s3 =	sld [smem:$0x3FFE];
	_ =	sdelay $0x1  }
0x8a: {  	s1 =	srdreg.scid  }
0x8b: {  	s0 =	sand.u32 $0x1, s1  }
0x8c: {  	s14 =	sshll.u32 s0, $0xA;
	s2 =	sadd.s32 s3, s2  }
0x8d: {  	s2 =	sadd.s32 s2, s14  }
0x8e: {  	[smem:$0x3FC5] =	sst s2  }
0x8f: {  	_ = 	snop  }
0x90: {  	s2 =	sld [smem:$0x3FD0];
	_ =	sdelay $0x2  }
0x91: {  	s4 =	simm.s32 $0xB;
	s5 =	simm.s32 $0x10;
	s15 =	sld [smem:$0x3FC9]  }
0x92: {  	[smem:s5], [sflag:s4] =	dma.local [hbm:s2], $0x1  }
0x93: {  	_ =	swait.eq [sflag:s4], $0x1  }
0x94: {  	[sflag:s4] =	ssyncset.done $0x0  }
0x95: {  	[sflag:s4] =	ssyncadd.s32 $0xFFFFFFFF  }
0x96: {  	s16 =	sld [smem:$0x11];
	(tm) =	ssettm $0x1  }
0x97: {  	s17 =	sld [smem:$0x3FFB];
	_ =	sdelay $0x3  }
0x98: {  	_ =	strace s17  }
0x99: {  	s4 =	sld [smem:$0x3FFC];
	_ =	sdelay $0x3  }
0x9a: {  	_ =	strace s4  }
0x9b: {  	s4 =	sld [smem:$0x3FFD];
	_ =	sdelay $0x3  }
0x9c: {  	_ =	strace s4  }
0x9d: {  	_ =	strace $0x8FFFFFFF  }
0x9e: {  	s18 =	sld [smem:$0x3FDB];
	_ =	sdelay $0x1  }
0x9f: {  	s19 =	simm.s32 $_scs_section_size  }
0xa0: {  	s6 =	simm.s32 $_size__tile_overlayer_lowered;
	s7 =	simm.s32 $_tile_overlayer_lowered  }
0xa1: {  	s22 =	simm.s32 $0x1BFF;
	s21 =	sshll.u32 s7, $0x1;
	s4 =	sadd.s32 s19, s18  }
0xa2: {  	s8 =	simm.s32 $0x0;
	s20 =	sshll.u32 s6, $0x1;
	s6 =	sadd.s32 s21, s4  }
0xa3: {  	[timem:s8], [sflag:s22] =	dma.local [hbm:s6], s20  }
0xa4: {  	_ =	swait.ge [sflag:s22], s20  }
0xa5: {  	s5 =	ssub.s32 $0x0, s20;
	[sflag:s22] =	ssyncset.done $0x0  }
0xa6: {  	[sflag:s22] =	ssyncadd.s32 s5;
	_ =	sdelay $0x1  }
0xa7: {  	s23 =	simm.s32 $0x1B8B  }
0xa8: {  	_ =	swait.ge [sflag:s23], $0x1  }
0xa9: {  	[sflag:s23] =	ssyncset.done $0x0  }
0xaa: {  	s25 =	simm.s32 $0x1B8E;
	s24 =	sld [smem:$0x3FFE];
	[sflag:s23] =	ssyncadd.s32 $0xFFFFFFFF  }
0xab: {  	s26 =	simm.s32 $execute0_lowered;
	[smem:$0x3FD2] =	sst s25  }
0xac: {  	s6 =	sshll.u32 s26, $0x1;
	_ =	strace $0x80000046;
	[dreg:$0x1] =	wrdreg $0xFFFFFFFF  }
0xad: {  	s28 =	simm.s32 $_size_execute0_lowered;
	s4 =	sadd.s32 s4, s6;
	[dreg:$0x0] =	wrdreg $0x0  }
0xae: {  	s6 =	sshll.u32 s28, $0x1;
	[dreg:$0x2] =	wrdreg s4  }
0xaf: {  	[dreg:$0x3] =	wrdreg s6  }
0xb0: {  	[dreg:$0x4] =	wrdreg $0xC0  }
0xb1: {  	_ =	task [dreg:s8], $0x5FFFF  }
0xb2: {  	[dreg:$0x1] =	wrdreg $0xFFFFFFFF  }
0xb3: {  	[dreg:$0x0] =	wrdreg $0x60  }
0xb4: {  	[dreg:$0x2] =	wrdreg s15  }
0xb5: {  	[dreg:$0x3] =	wrdreg s24  }
0xb6: {  	[dreg:$0x4] =	wrdreg s16  }
0xb7: {  	[dreg:$0x5] =	wrdreg $0xA  }
0xb8: {  	_ =	task.clear_ibuf [dreg:s8], $0x6FFFF;
	_ =	strace $0x90000046  }
0xb9: {  	s29 =	simm.s32 $0xA;
	_ =	strace $0x80000048  }
0xba: {  	_ =	swait.ge [sflag:s29], $0x1  }
0xbb: {  	[sflag:s29] =	ssyncadd.s32 $0xFFFFFFFF  }
0xbc: {  	_ =	strace $0x90000048  }
0xbd: {  	_ =	sfence  }
0xbe: {  	s30 =	sld [smem:$0x0];
	_ =	sdelay $0x2  }
0xbf: {  	s31 =	sshll.u32 s1, $0xD;
	s1 =	sshrl.u32 s1, $0x2  }
0xc0: {  	s3 =	sand.u32 $0x4000, s31;
	s1 =	sadd.s32 s1, s30  }
0xc1: {  	s0 =	sor.u32 s3, s0;
	s1 =	sshll.u32 s1, $0x11  }
0xc2: {  	s0 =	sor.u32 s1, s0  }
0xc3: {  	s0 =	sadd.s32 $0x8F2B, s0  }
0xc4: {  	[sflag:s0] =	ssyncadd.remote.s32 $0x1  }
0xc5: {  	_ =	sfence.sel $0xFFFF  }
0xc6: {  	[dreg:$0x0] =	wrdreg $0xFFFFFFFF;
	(pc) =	sbr.abs _section_cstart, $3  }
0xc7: {  	[dreg:$0x1] =	wrdreg $0xFFFFFFFF  }
0xc8: {  	_ =	task.clear_ibuf [dreg:s8], $0x2FFFF;
	_ =	strace $0x9FFFFFFF  }
0xc9: {  	(tm) =	ssettm $0x7FFFFFFF  }
tec
execute0_lowered:
.L_overlay_start_1:
0x0: {  	(tag) =	ssettag $0x1  }
0x1: {  	s3 =	rddreg [dreg:$0x0]  }
0x2: {  	s5 =	rddreg [dreg:$0x1]  }
0x3: {  	s1 =	srdreg.scid;
	s0 =	stileid.u32  }
0x4: {  	s9 =	rddreg [dreg:$0x2];
	s18 =	sand.u32 $0x1, s1;
	s4 =	sshll.u32 s0, $0x1  }
0x5: {  	s2 =	simm.s32 $0x0;
	s1 =	rddreg [dreg:$0x3];
	s10 =	sor.u32 s18, s4  }
0x6: {  	[smem:$0x7FF] =	sst s2;
	s4 =	sshll.u32 s10, $0x6  }
0x7: {  	_ =	strace $0x80000047;
	s3 =	sadd.s32 s3, s4;
	s4 =	simm.s32 $0x5  }
0x8: {  	[tilespmem:s2], [sflag:$0x5] =	stream.linear.gather [hbm4b:s3+s2], $0x200, $0x38;
	[tilespmem:$0x4200] =	vst v63  }
0x9: {  	_ =	swait.ge [sflag:s4], $0x200  }
0xa: {  	s6 =	simm.s32 $0x80;
	s7 =	simm.s32 $0x200;
	[sflag:s4] =	ssyncset.done $0x0  }
0xb: {  	s8 =	simm.s32 $0x1;
	s5 =	sadd.s32 $0x187200, s5;
	[sflag:s4] =	ssyncadd.s32 $0xFFFFFE00  }
0xc: {  	[tilespmem:s7], [sflag:$0x1] =	stream.indirect.gather [hbm4b:s5+s6], $0x40, s2, s6, $0xb8;
	[tilespmem:$0x4200] =	vst v63  }
0xd: {  	_ =	swait.ge [sflag:s8], $0x2000  }
0xe: {  	s10 =	sshll.u32 s10, $0xC;
	[sflag:s8] =	ssyncset.done $0x0  }
0xf: {  	s9 =	sadd.s32 s9, s10;
	[sflag:s8] =	ssyncadd.s32 $0xFFFFE000  }
0x10: {  	[hbm4b:s9+s2] =	stream.linear.scatter [tilespmem:s7], [sflag:$0x3], $0x2000, $0x38;
	[tilespmem:$0x4200] =	vst v63  }
0x11: {  	s11 =	simm.s32 $0x2;
	s10 =	simm.s32 $0x2200  }
0x12: {  	[tilespmem:s10], [sflag:$0x2] =	stream.indirect.gather [hbm4b:s5+s6], $0x40, s6, s6, $0xb8;
	[tilespmem:$0x4200] =	vst v63  }
0x13: {  	_ =	swait.ge [sflag:s11], $0x2000  }
0x14: {  	[sflag:s11] =	ssyncset.done $0x0  }
0x15: {  	s13 =	simm.s32 $0x3;
	s12 =	sadd.s32 $0x400, s9;
	[sflag:s11] =	ssyncadd.s32 $0xFFFFE000  }
0x16: {  	[hbm4b:s12+s2] =	stream.linear.scatter [tilespmem:s10], [sflag:$0x4], $0x2000, $0x38;
	[tilespmem:$0x4200] =	vst v63  }
0x17: {  	_ =	swait.ge [sflag:s13], $0x2000  }
0x18: {  	[sflag:s13] =	ssyncset.done $0x0  }
0x19: {  	s14 =	simm.s32 $0x100;
	[sflag:s13] =	ssyncadd.s32 $0xFFFFE000  }
0x1a: {  	[tilespmem:s7], [sflag:$0x1] =	stream.indirect.gather [hbm4b:s5+s6], $0x40, s14, s6, $0xb8;
	[tilespmem:$0x4200] =	vst v63  }
0x1b: {  	_ =	swait.ge [sflag:s8], $0x2000  }
0x1c: {  	[sflag:s8] =	ssyncset.done $0x0  }
0x1d: {  	s15 =	simm.s32 $0x4;
	s16 =	sadd.s32 $0x800, s9;
	[sflag:s8] =	ssyncadd.s32 $0xFFFFE000  }
0x1e: {  	[hbm4b:s16+s2] =	stream.linear.scatter [tilespmem:s7], [sflag:$0x3], $0x2000, $0x38;
	[tilespmem:$0x4200] =	vst v63  }
0x1f: {  	_ =	swait.ge [sflag:s15], $0x2000  }
0x20: {  	s19 =	ssub.s32 $0x2, s18;
	[sflag:s15] =	ssyncset.done $0x0  }
0x21: {  	s17 =	simm.s32 $0x180;
	s20 =	sshrl.u32 s19, $0x1;
	[sflag:s15] =	ssyncadd.s32 $0xFFFFE000  }
0x22: {  	[tilespmem:s10], [sflag:$0x2] =	stream.indirect.gather [hbm4b:s5+s6], $0x40, s17, s6, $0xb8;
	[tilespmem:$0x4200] =	vst v63  }
0x23: {  	s19 =	ssub.s32 s19, s20;
	_ =	swait.ge [sflag:s11], $0x2000  }
0x24: {  	s19 =	smax.u32 s19, $0x1;
	[sflag:s11] =	ssyncset.done $0x0  }
0x25: {  	s18 =	sadd.s32 $0xC00, s9;
	p0 =	sne.s32 s19, $0x1;
	[sflag:s11] =	ssyncadd.s32 $0xFFFFE000  }
0x26: {  	[hbm4b:s18+s2] =	stream.linear.scatter [tilespmem:s10], [sflag:$0x4], $0x2000, $0x38;
	[tilespmem:$0x4200] =	vst v63  }
.Ltmp0:
0x27: {  	_ =	swait.ge [sflag:s13], $0x2000;
	(pc) =	sbr.rel @!p0 .LBB2_2-.Ltmp0, $4  }
0x28: {  	[sflag:s13] =	ssyncset.done $0x0  }
0x29: {  	[sflag:s13] =	ssyncadd.s32 $0xFFFFE000  }
0x2a: {  	_ =	swait.ge [sflag:s15], $0x2000  }
0x2b: {  	s19 =	sadd.s32 $0xFFFFFFFF, s19;
	[sflag:s15] =	ssyncset.done $0x0  }
.LBB2_1:
0x2c: {  	p0 =	sne.s32 s19, $0x1;
	s19 =	sadd.s32 $0xFFFFFFFF, s19;
	[sflag:s15] =	ssyncadd.s32 $0xFFFFE000  }
0x2d: {  	[tilespmem:s2], [sflag:$0x5] =	stream.linear.gather [hbm4b:s3+s2], $0x200, $0x38;
	[tilespmem:$0x4200] =	vst v63  }
0x2e: {  	_ =	swait.ge [sflag:s4], $0x200  }
0x2f: {  	[sflag:s4] =	ssyncset.done $0x0  }
0x30: {  	[sflag:s4] =	ssyncadd.s32 $0xFFFFFE00  }
0x31: {  	[tilespmem:s7], [sflag:$0x1] =	stream.indirect.gather [hbm4b:s5+s6], $0x40, s2, s6, $0xb8;
	[tilespmem:$0x4200] =	vst v63  }
0x32: {  	_ =	swait.ge [sflag:s8], $0x2000  }
0x33: {  	[sflag:s8] =	ssyncset.done $0x0  }
0x34: {  	[sflag:s8] =	ssyncadd.s32 $0xFFFFE000  }
0x35: {  	[hbm4b:s9+s2] =	stream.linear.scatter [tilespmem:s7], [sflag:$0x3], $0x2000, $0x38;
	[tilespmem:$0x4200] =	vst v63  }
0x36: {  	_ = 	snop  }
0x37: {  	[tilespmem:s10], [sflag:$0x2] =	stream.indirect.gather [hbm4b:s5+s6], $0x40, s6, s6, $0xb8;
	[tilespmem:$0x4200] =	vst v63  }
0x38: {  	_ =	swait.ge [sflag:s11], $0x2000  }
0x39: {  	[sflag:s11] =	ssyncset.done $0x0  }
0x3a: {  	[sflag:s11] =	ssyncadd.s32 $0xFFFFE000  }
0x3b: {  	[hbm4b:s12+s2] =	stream.linear.scatter [tilespmem:s10], [sflag:$0x4], $0x2000, $0x38;
	[tilespmem:$0x4200] =	vst v63  }
0x3c: {  	_ =	swait.ge [sflag:s13], $0x2000  }
0x3d: {  	[sflag:s13] =	ssyncset.done $0x0  }
0x3e: {  	[sflag:s13] =	ssyncadd.s32 $0xFFFFE000  }
0x3f: {  	[tilespmem:s7], [sflag:$0x1] =	stream.indirect.gather [hbm4b:s5+s6], $0x40, s14, s6, $0xb8;
	[tilespmem:$0x4200] =	vst v63  }
0x40: {  	_ =	swait.ge [sflag:s8], $0x2000  }
0x41: {  	[sflag:s8] =	ssyncset.done $0x0  }
0x42: {  	[sflag:s8] =	ssyncadd.s32 $0xFFFFE000  }
0x43: {  	[hbm4b:s16+s2] =	stream.linear.scatter [tilespmem:s7], [sflag:$0x3], $0x2000, $0x38;
	[tilespmem:$0x4200] =	vst v63  }
0x44: {  	_ =	swait.ge [sflag:s15], $0x2000  }
0x45: {  	[sflag:s15] =	ssyncset.done $0x0  }
0x46: {  	[sflag:s15] =	ssyncadd.s32 $0xFFFFE000  }
0x47: {  	[tilespmem:s10], [sflag:$0x2] =	stream.indirect.gather [hbm4b:s5+s6], $0x40, s17, s6, $0xb8;
	[tilespmem:$0x4200] =	vst v63  }
0x48: {  	_ =	swait.ge [sflag:s11], $0x2000  }
0x49: {  	[sflag:s11] =	ssyncset.done $0x0  }
0x4a: {  	[sflag:s11] =	ssyncadd.s32 $0xFFFFE000  }
0x4b: {  	[hbm4b:s18+s2] =	stream.linear.scatter [tilespmem:s10], [sflag:$0x4], $0x2000, $0x38;
	[tilespmem:$0x4200] =	vst v63  }
.Ltmp1:
0x4c: {  	_ =	swait.ge [sflag:s13], $0x2000;
	(pc) =	sbr.rel @p0 .LBB2_1-.Ltmp1, $4  }
0x4d: {  	[sflag:s13] =	ssyncset.done $0x0  }
0x4e: {  	[sflag:s13] =	ssyncadd.s32 $0xFFFFE000  }
0x4f: {  	_ =	swait.ge [sflag:s15], $0x2000  }
0x50: {  	[sflag:s15] =	ssyncset.done $0x0  }
.LBB2_2:
0x51: {  	[sflag:s15] =	ssyncadd.s32 $0xFFFFE000  }
0x52: {  	_ =	sfence.sel $0x180000  }
0x53: {  	[bflag:$0x0] =	sbarrier.arrive $0xFFFF  }
0x54: {  	p0 =	sne.s32 s0, $0x0;
	_ =	strace $0x90000047  }
0x55: {  	s0 =	sadd.s32 @!p0 $0x100000, s1;
	[bflag:$0x2] =	sbarrier.arrive $0xFFFF  }
0x56: {  	[sflag:s0] =	ssyncadd.tile.s32 @!p0 $0x1;
	_ =	shalt  }
.Lfunc_end2:
_tile_overlayer_lowered:
.L_overlay_start_2:
0x57: {  	(tag) =	ssettag $0x2  }
0x58: {  	s0 =	rddreg [dreg:$0x0];
	s2 =	stileid.u32  }
0x59: {  	s1 =	rddreg [dreg:$0x1];
	p0 =	sne.s32 s2, $0x0  }
0x5a: {  	s3 =	rddreg [dreg:$0x2];
	[bflag:$0x3] =	sbarrier.arrive $0xFFFF;
	s2 =	simm.s32 @!p0 $0x1C05  }
0x5b: {  	[timem:s3], [sflag:s2] =	dma.local @!p0 [hbm:s0], s1  }
0x5c: {  	s0 =	simm.s32 @!p0 $0x5  }
0x5d: {  	_ =	swait.ge @!p0 [sflag:s0], s1  }
0x5e: {  	s1 =	ssub.s32 @!p0 $0x0, s1;
	[sflag:s0] =	ssyncset.done @!p0 $0x0  }
0x5f: {  	[sflag:s0] =	ssyncadd.s32 @!p0 s1  }
0x60: {  	[bflag:$0x3] =	sbarrier.arrive $0xFFFF  }
0x61: {  	_ =	shalt  }

</sc_bundles>
